<compile_context>
chip_gen: v7x
topology: tpu7x:2x2x1
jax: 0.10.2.dev20260603
libtpu: 0.0.44.dev20260713+nightly
codegen_flags: <defaults>
</compile_context>

<pallas_src>
import functools

import jax
import jax.numpy as jnp
from jax import lax
from jax.experimental import pallas as pl
from jax.experimental.pallas import tpu as pltpu
from jax.experimental.pallas import tpu_sc as plsc

N_POL = 60000
N_TICK = 39000
N_COMM = 1000
N_NODES = N_POL + N_TICK + N_COMM
F = 32
E = 1600000

HALF = N_NODES // 2
N_TILES = 16
BLK = 512
ROWS_PER_BLK = BLK // 128
EPT_BLOCKS = 200
E_PAD = N_TILES * EPT_BLOCKS * BLK
ACC_ROWS = 50176
ZCH = 64
ZPT = ACC_ROWS // N_TILES
OPT = 3128


def _seg_body(x_hbm, src_hbm, dst_hbm, w_hbm, agg_hbm,
              acc, src_i, dst_i, w_flat, idx_v, rows, zbuf, sem):
    c = lax.axis_index("c")
    s = lax.axis_index("s")
    lo = c * HALF
    dump = HALF + s * 8

    zeros16 = jnp.zeros((16,), jnp.float32)

    @pl.loop(0, ZCH)
    def _zb(i):
        zbuf[i, pl.ds(0, 16)] = zeros16
        zbuf[i, pl.ds(16, 16)] = zeros16

    @pl.loop(0, ZPT // ZCH)
    def _zc(i):
        pltpu.sync_copy(zbuf, acc.at[pl.ds(s * ZPT + i * ZCH, ZCH)])

    plsc.subcore_barrier()

    @pl.loop(0, EPT_BLOCKS)
    def _block(b):
        row0 = s * (EPT_BLOCKS * ROWS_PER_BLK) + b * ROWS_PER_BLK
        ebase = (s * EPT_BLOCKS + b) * BLK
        pltpu.sync_copy(src_hbm.at[pl.ds(row0, ROWS_PER_BLK)], src_i)
        pltpu.sync_copy(dst_hbm.at[pl.ds(row0, ROWS_PER_BLK)], dst_i)
        pltpu.sync_copy(w_hbm.at[pl.ds(ebase, BLK)], w_flat.at[pl.ds(0, BLK)])

        cps = [pltpu.async_copy(x_hbm.at[src_i.at[j]],
                                rows.at[pl.ds(j * 128, 128)], sem)
               for j in range(ROWS_PER_BLK)]
        for cp in cps:
            cp.wait()

        @plsc.parallel_loop(0, ROWS_PER_BLK * 8, step=1)
        def _ib(g):
            j = g // 8
            k = (g % 8) * 16
            t = dst_i[j, pl.ds(k, 16)] - lo
            inb = (t >= 0) & (t < HALF)
            idx_v[j, pl.ds(k, 16)] = jnp.where(inb, t, dump)

        @plsc.parallel_loop(0, BLK, step=1)
        def _mb(e):
            wv = w_flat[pl.ds(e, 16)][0]
            rows[e, pl.ds(0, 16)] = rows[e, pl.ds(0, 16)] * wv
            rows[e, pl.ds(16, 16)] = rows[e, pl.ds(16, 16)] * wv

        for j in range(ROWS_PER_BLK):
            pltpu.sync_copy(rows.at[pl.ds(j * 128, 128)],
                            acc.at[idx_v.at[j]], add=True)

    plsc.subcore_barrier()
    base = s * OPT
    last = HALF - 15 * OPT

    @pl.when(s < 15)
    def _out_main():
        pltpu.sync_copy(acc.at[pl.ds(base, OPT)],
                        agg_hbm.at[pl.ds(lo + base, OPT)])

    @pl.when(s == 15)
    def _out_last():
        pltpu.sync_copy(acc.at[pl.ds(15 * OPT, last)],
                        agg_hbm.at[pl.ds(lo + 15 * OPT, last)])


_seg_kernel = pl.kernel(
    _seg_body,
    out_type=jax.ShapeDtypeStruct((N_NODES, F), jnp.float32),
    mesh=plsc.VectorSubcoreMesh(core_axis_name="c", subcore_axis_name="s"),
    compiler_params=pltpu.CompilerParams(use_tc_tiling_on_sc=False),
    scratch_types=[
        pltpu.VMEM_SHARED((ACC_ROWS, F), jnp.float32),
        pltpu.VMEM((ROWS_PER_BLK, 128), jnp.int32),
        pltpu.VMEM((ROWS_PER_BLK, 128), jnp.int32),
        pltpu.VMEM((BLK + 16,), jnp.float32),
        pltpu.VMEM((ROWS_PER_BLK, 128), jnp.int32),
        pltpu.VMEM((BLK, F), jnp.float32),
        pltpu.VMEM((ZCH, F), jnp.float32),
        pltpu.SemaphoreType.DMA,
    ],
)


def _segment_sum(x, src2d, dst2d, w2d):
    return _seg_kernel(x, src2d, dst2d, w2d)



def _ln(x, g, b):
    mu = jnp.mean(x, axis=-1, keepdims=True)
    d = x - mu
    var = jnp.mean(d * d, axis=-1, keepdims=True)
    return d / jnp.sqrt(var + 1e-5) * g + b


def _pol_body(pf_ref, ids_ref, wp_ref, bp_ref, semb_ref, g_ref, bln_ref, o_ref):
    h = jnp.dot(pf_ref[...], wp_ref[...], preferred_element_type=jnp.float32)
    h = jnp.maximum(h + bp_ref[...], 0.0)
    br = ids_ref.shape[0]
    oh = (lax.broadcasted_iota(jnp.int32, (br, 50), 1) == ids_ref[...]
          ).astype(jnp.float32)
    h = h + jnp.dot(oh, semb_ref[...], preferred_element_type=jnp.float32)
    o_ref[...] = _ln(h, g_ref[...], bln_ref[...])


def _comp_body(sid_ref, iid_ref, cs_ref, se_ref, ie_ref, ws_ref, wi_ref,
               wc_ref, bc_ref, g_ref, bln_ref, o_ref):
    br = sid_ref.shape[0]
    ohs = (lax.broadcasted_iota(jnp.int32, (br, 12), 1) == sid_ref[...]
           ).astype(jnp.float32)
    se = jnp.dot(ohs, se_ref[...], preferred_element_type=jnp.float32)
    ohi = (lax.broadcasted_iota(jnp.int32, (br, 152), 1) == iid_ref[...]
           ).astype(jnp.float32)
    ie = jnp.dot(ohi, ie_ref[...], preferred_element_type=jnp.float32)
    h = (jnp.dot(se, ws_ref[...], preferred_element_type=jnp.float32)
         + jnp.dot(ie, wi_ref[...], preferred_element_type=jnp.float32)
         + cs_ref[...] * wc_ref[...] + bc_ref[...])
    h = jnp.maximum(h, 0.0)
    o_ref[...] = _ln(h, g_ref[...], bln_ref[...])


def _comm_body(ce_ref, g_ref, bln_ref, o_ref):
    o_ref[...] = _ln(ce_ref[...], g_ref[...], bln_ref[...])


def _dense_body(relu, agg_ref, xin_ref, wr_ref, b_ref, wroot_ref, o_ref):
    acc = jnp.dot(agg_ref[...], wr_ref[...], preferred_element_type=jnp.float32)
    acc = acc + jnp.dot(xin_ref[...], wroot_ref[...],
                        preferred_element_type=jnp.float32)
    acc = acc + b_ref[...]
    if relu:
        acc = jnp.maximum(acc, 0.0)
    o_ref[...] = acc


def _row_spec(br, w):
    return pl.BlockSpec((br, w), lambda i: (i, 0))


def _full_spec(a, b):
    return pl.BlockSpec((a, b), lambda i: (0, 0))


def _dense(agg, xin, wr, b, wroot, relu):
    br = 4000
    return pl.pallas_call(
        functools.partial(_dense_body, relu),
        grid=(N_NODES // br,),
        in_specs=[_row_spec(br, F), _row_spec(br, F), _full_spec(F, F),
                  _full_spec(1, F), _full_spec(F, F)],
        out_specs=_row_spec(br, F),
        out_shape=jax.ShapeDtypeStruct((N_NODES, F), jnp.float32),
    )(agg, xin, wr, b.reshape(1, F), wroot)


def kernel(edge_index, edge_weight, pol_features, state_ids, sector_ids,
           industry_ids, comp_scalar, W_pol, b_pol, state_emb, sector_emb,
           industry_emb, W_comp, b_comp, comm_emb, ln_g, ln_b,
           W1_rel, b1_rel, W1_root, W2_rel, b2_rel, W2_root):
    g2 = ln_g.reshape(1, F)
    bln2 = ln_b.reshape(1, F)

    pf = jnp.pad(pol_features, ((0, 0), (0, 1)))
    wp = jnp.pad(W_pol, ((0, 1), (0, 0)))
    br_p = 3000
    xp = pl.pallas_call(
        _pol_body,
        grid=(N_POL // br_p,),
        in_specs=[_row_spec(br_p, 8), _row_spec(br_p, 1), _full_spec(8, F),
                  _full_spec(1, F), _full_spec(50, F), _full_spec(1, F),
                  _full_spec(1, F)],
        out_specs=_row_spec(br_p, F),
        out_shape=jax.ShapeDtypeStruct((N_POL, F), jnp.float32),
    )(pf, state_ids.reshape(N_POL, 1), wp, b_pol.reshape(1, F), state_emb,
      g2, bln2)

    br_c = 3000
    iemb = jnp.pad(industry_emb, ((0, 2), (0, 0)))
    xc = pl.pallas_call(
        _comp_body,
        grid=(N_TICK // br_c,),
        in_specs=[_row_spec(br_c, 1), _row_spec(br_c, 1), _row_spec(br_c, 1),
                  _full_spec(12, 8), _full_spec(152, 8), _full_spec(8, F),
                  _full_spec(8, F), _full_spec(1, F), _full_spec(1, F),
                  _full_spec(1, F), _full_spec(1, F)],
        out_specs=_row_spec(br_c, F),
        out_shape=jax.ShapeDtypeStruct((N_TICK, F), jnp.float32),
    )(sector_ids.reshape(N_TICK, 1), industry_ids.reshape(N_TICK, 1),
      comp_scalar, sector_emb, iemb, W_comp[0:8], W_comp[8:16],
      W_comp[16:17], b_comp.reshape(1, F), g2, bln2)

    xm = pl.pallas_call(
        _comm_body,
        grid=(1,),
        in_specs=[_row_spec(N_COMM, F), _full_spec(1, F), _full_spec(1, F)],
        out_specs=_row_spec(N_COMM, F),
        out_shape=jax.ShapeDtypeStruct((N_COMM, F), jnp.float32),
    )(comm_emb, g2, bln2)

    x = jnp.concatenate([xp, xc, xm], axis=0)

    src = edge_index[0]
    dst = edge_index[1]
    pad = E_PAD - E
    src2d = jnp.pad(src, (0, pad)).reshape(E_PAD // 128, 128)
    dst2d = jnp.pad(dst, (0, pad), constant_values=N_NODES
                    ).reshape(E_PAD // 128, 128)
    w2d = jnp.pad(edge_weight, (0, pad))

    agg1 = _segment_sum(x, src2d, dst2d, w2d)
    h = _dense(agg1, x, W1_rel, b1_rel, W1_root, True)

    agg2 = _segment_sum(h, src2d, dst2d, w2d)
    out = _dense(agg2, h, W2_rel, b2_rel, W2_root, False)
    return out

# --- scband reference (transcript-rebuilt; emitter-appended) ---
"""Pipeline reference for scband-bipartite-committee-sage-48344151884192 (READ-ONLY COPY).

The authoritative reference and input builder live on the scoring server;
editing this copy changes nothing except your own understanding.
"""

import jax, jax.numpy as jnp
import numpy as np

N_POL = 60000
N_TICK = 39000
N_COMM = 1000
N = N_POL + N_TICK + N_COMM
N_STATES = 50
N_SECTORS = 12
N_INDUSTRIES = 150
EMB = 32
HID = 32
OUT = 32
E = 1600000


def setup_inputs(seed: int = 0):
    key = jax.random.key(seed)
    ks = jax.random.split(key, 24)
    inp = {}
    # forward args
    inp['edge_index'] = jax.random.randint(ks[0], (2, E), 0, N, dtype=jnp.int32)
    inp['edge_weight'] = jax.random.uniform(ks[1], (E,), dtype=jnp.float32)
    # stored node-feature tensors (set via setters in the torch module)
    inp['pol_features'] = jax.random.normal(ks[2], (N_POL, 7), dtype=jnp.float32)
    inp['state_ids'] = jax.random.randint(ks[3], (N_POL,), 0, N_STATES, dtype=jnp.int32)
    inp['sector_ids'] = jax.random.randint(ks[4], (N_TICK,), 0, N_SECTORS, dtype=jnp.int32)
    inp['industry_ids'] = jax.random.randint(ks[5], (N_TICK,), 0, N_INDUSTRIES, dtype=jnp.int32)
    inp['comp_scalar'] = jax.random.normal(ks[6], (N_TICK, 1), dtype=jnp.float32)
    # learned parameters
    inp['W_pol'] = jax.random.normal(ks[7], (7, EMB), dtype=jnp.float32) * 0.1
    inp['b_pol'] = jnp.zeros((EMB,), dtype=jnp.float32)
    inp['state_emb'] = jax.random.normal(ks[8], (N_STATES, EMB), dtype=jnp.float32) * 0.1
    inp['sector_emb'] = jax.random.normal(ks[9], (N_SECTORS, 8), dtype=jnp.float32) * 0.1
    inp['industry_emb'] = jax.random.normal(ks[10], (N_INDUSTRIES, 8), dtype=jnp.float32) * 0.1
    inp['W_comp'] = jax.random.normal(ks[11], (17, EMB), dtype=jnp.float32) * 0.1
    inp['b_comp'] = jnp.zeros((EMB,), dtype=jnp.float32)
    inp['comm_emb'] = jax.random.normal(ks[12], (N_COMM, EMB), dtype=jnp.float32) * 0.1
    inp['ln_g'] = jnp.ones((EMB,), dtype=jnp.float32)
    inp['ln_b'] = jnp.zeros((EMB,), dtype=jnp.float32)
    inp['W1_rel'] = jax.random.normal(ks[13], (EMB, HID), dtype=jnp.float32) * 0.1
    inp['b1_rel'] = jnp.zeros((HID,), dtype=jnp.float32)
    inp['W1_root'] = jax.random.normal(ks[14], (EMB, HID), dtype=jnp.float32) * 0.1
    inp['W2_rel'] = jax.random.normal(ks[15], (HID, OUT), dtype=jnp.float32) * 0.1
    inp['b2_rel'] = jnp.zeros((OUT,), dtype=jnp.float32)
    inp['W2_root'] = jax.random.normal(ks[16], (HID, OUT), dtype=jnp.float32) * 0.1
    return inp


def _layer_norm(x, g, b, eps=1e-5):
    mu = jnp.mean(x, axis=-1, keepdims=True)
    var = jnp.mean((x - mu) ** 2, axis=-1, keepdims=True)
    return (x - mu) / jnp.sqrt(var + eps) * g + b


def _graph_conv(x, edge_index, edge_weight, w_rel, b_rel, w_root):
    # PyG GraphConv: out = lin_rel(sum_{j in N(i)} w_ij * x_j) + lin_root(x_i)
    src = edge_index[0]
    dst = edge_index[1]
    msg = x[src] * edge_weight[:, None]
    agg = jax.ops.segment_sum(msg, dst, num_segments=N)
    return agg @ w_rel + b_rel + x @ w_root


def reference(edge_index, edge_weight, pol_features, state_ids, sector_ids,
              industry_ids, comp_scalar, W_pol, b_pol, state_emb, sector_emb,
              industry_emb, W_comp, b_comp, comm_emb, ln_g, ln_b,
              W1_rel, b1_rel, W1_root, W2_rel, b2_rel, W2_root):
    # get_node_features
    pol = jax.nn.relu(pol_features @ W_pol + b_pol) + state_emb[state_ids]
    s_e = sector_emb[sector_ids]
    i_e = industry_emb[industry_ids]
    comp_in = jnp.concatenate([s_e, i_e, comp_scalar], axis=1)
    comp = jax.nn.relu(comp_in @ W_comp + b_comp)
    x = jnp.concatenate([pol, comp, comm_emb], axis=0)
    x = _layer_norm(x, ln_g, ln_b)
    # two GraphConv layers (dropout = identity in eval mode)
    h = jax.nn.relu(_graph_conv(x, edge_index, edge_weight, W1_rel, b1_rel, W1_root))
    out = _graph_conv(h, edge_index, edge_weight, W2_rel, b2_rel, W2_root)
    return out

if __name__ == "__main__":
    import jax
    _d = setup_inputs()
    print(jax.jit(kernel)(*tuple(_d.values())))

</pallas_src>

<mosaic_0001>
#map = affine_map<(d0, d1) -> (0, 0)>
#map1 = affine_map<(d0, d1) -> (0)>
module attributes {stable_mosaic.version = 14 : i64} {
  func.func @_seg_body(%arg0: i32, %arg1: i32, %arg2: memref<100000x32xf32, #tpu.memory_space<hbm>>, %arg3: memref<12800x128xi32, #tpu.memory_space<hbm>>, %arg4: memref<12800x128xi32, #tpu.memory_space<hbm>>, %arg5: memref<1638400xf32, #tpu.memory_space<hbm>>, %arg6: memref<100000x32xf32, #tpu.memory_space<hbm>>, %arg7: memref<50176x32xf32, #tpu.memory_space<vmem_shared>>, %arg8: memref<4x128xi32, #tpu.memory_space<vmem>>, %arg9: memref<4x128xi32, #tpu.memory_space<vmem>>, %arg10: memref<528xf32, #tpu.memory_space<vmem>>, %arg11: memref<4x128xi32, #tpu.memory_space<vmem>>, %arg12: memref<512x32xf32, #tpu.memory_space<vmem>>, %arg13: memref<64x32xf32, #tpu.memory_space<vmem>>, %arg14: memref<!tpu.dma_semaphore, #tpu.memory_space<semaphore_mem>>) attributes {dimension_semantics = [#tpu.dimension_semantics<core_parallel>, #tpu.dimension_semantics<subcore_parallel>], iteration_bounds = array<i64: 2, 16>, scalar_prefetch = 0 : i64, scratch_operands = 8 : i64, tpu.core_type = #tpu.core_type<sc_vector_subcore>, window_params = [{transform_indices = #map}, {transform_indices = #map}, {transform_indices = #map}, {transform_indices = #map1}, {transform_indices = #map}]} {
    %mul3A = arith.constant 50000 : i32
    %mul3A_0 = arith.muli %arg0, %mul3A : i32
    %mul3A_1 = arith.constant 8 : i32
    %mul3A_2 = arith.muli %arg1, %mul3A_1 : i32
    %add3A = arith.constant 50000 : i32
    %add3A_3 = arith.addi %add3A, %mul3A_2 : i32
    %broadcast_in_dim3A = arith.constant 0.000000e+00 : f32
    %broadcast_in_dim3A_4 = vector.broadcast %broadcast_in_dim3A : f32 to vector<16xf32>
    %scan3A = arith.constant 0 : i32
    %scan3A_5 = arith.constant 64 : i32
    %scan3A_6 = arith.addi %scan3A, %scan3A_5 : i32
    %scan3A_7 = arith.constant 1 : i32
    scf.for %scan3A_28 = %scan3A to %scan3A_6 step %scan3A_7  : i32 {
      %mul3A_29 = arith.constant 1 : i32
      %mul3A_30 = arith.muli %scan3A_28, %mul3A_29 : i32
      %add3A_31 = arith.constant 0 : i32
      %add3A_32 = arith.addi %add3A_31, %mul3A_30 : i32
      %swap3A = arith.index_cast %add3A_32 : i32 to index
      %swap3A_33 = arith.constant 0 : index
      %swap3A_34 = tpu.vector_load %arg13[%swap3A, %swap3A_33] {strides = array<i32>} : memref<64x32xf32, #tpu.memory_space<vmem>>, vector<1x16xf32>,
      %swap3A_35 = vector.shape_cast %swap3A_34 : vector<1x16xf32> to vector<16xf32>
      %swap3A_36 = vector.shape_cast %broadcast_in_dim3A_4 : vector<16xf32> to vector<1x16xf32>
      tpu.vector_store %arg13[%swap3A, %swap3A_33], %swap3A_36 {strides = array<i32>} : memref<64x32xf32, #tpu.memory_space<vmem>>, vector<1x16xf32>,
      %swap3A_37 = arith.index_cast %add3A_32 : i32 to index
      %swap3A_38 = arith.constant 16 : index
      %swap3A_39 = tpu.vector_load %arg13[%swap3A_37, %swap3A_38] {strides = array<i32>} : memref<64x32xf32, #tpu.memory_space<vmem>>, vector<1x16xf32>,
      %swap3A_40 = vector.shape_cast %swap3A_39 : vector<1x16xf32> to vector<16xf32>
      %swap3A_41 = vector.shape_cast %broadcast_in_dim3A_4 : vector<16xf32> to vector<1x16xf32>
      tpu.vector_store %arg13[%swap3A_37, %swap3A_38], %swap3A_41 {strides = array<i32>} : memref<64x32xf32, #tpu.memory_space<vmem>>, vector<1x16xf32>,
    }
    %scan3A_8 = arith.constant 64 : i32
    %scan3A_9 = arith.constant 0 : i32
    %scan3A_10 = arith.constant 49 : i32
    %scan3A_11 = arith.addi %scan3A_9, %scan3A_10 : i32
    %scan3A_12 = arith.constant 1 : i32
    scf.for %scan3A_28 = %scan3A_9 to %scan3A_11 step %scan3A_12  : i32 {
      %mul3A_29 = arith.constant 1 : i32
      %mul3A_30 = arith.muli %scan3A_28, %mul3A_29 : i32
      %add3A_31 = arith.constant 0 : i32
      %add3A_32 = arith.addi %add3A_31, %mul3A_30 : i32
      %mul3A_33 = arith.constant 3136 : i32
      %mul3A_34 = arith.muli %arg1, %mul3A_33 : i32
      %mul3A_35 = arith.constant 64 : i32
      %mul3A_36 = arith.muli %add3A_32, %mul3A_35 : i32
      %add3A_37 = arith.addi %mul3A_34, %mul3A_36 : i32
      "tpu.region"() ({
        %run_scoped3A = tpu.sem_alloc : memref<!tpu.dma_semaphore, #tpu.memory_space<semaphore_mem>>
        %dma_start3A = arith.constant 0 : i32
        %dma_start3A_38 = tpu.memref_slice %arg7[%add3A_37, %dma_start3A] : memref<50176x32xf32, #tpu.memory_space<vmem_shared>> -> memref<64x32xf32, #tpu.memory_space<vmem_shared>>
        %dma_start3A_39 = arith.constant 0 : i32
        %dma_start3A_40 = tpu.memref_slice %arg7[%add3A_37, %dma_start3A_39] : memref<50176x32xf32, #tpu.memory_space<vmem_shared>> -> memref<64x32xf32, #tpu.memory_space<vmem_shared>>
        tpu.enqueue_dma source(%arg13 : memref<64x32xf32, #tpu.memory_space<vmem>>) target(%dma_start3A_40 : memref<64x32xf32, #tpu.memory_space<vmem_shared>>) target_semaphore(%run_scoped3A : memref<!tpu.dma_semaphore, #tpu.memory_space<semaphore_mem>>)
        %dma_wait3A = arith.constant 0 : i32
        %dma_wait3A_41 = tpu.memref_slice %arg7[%add3A_37, %dma_wait3A] : memref<50176x32xf32, #tpu.memory_space<vmem_shared>> -> memref<64x32xf32, #tpu.memory_space<vmem_shared>>
        %dma_wait3A_42 = arith.constant 0 : i32
        %dma_wait3A_43 = tpu.memref_slice %arg7[%add3A_37, %dma_wait3A_42] : memref<50176x32xf32, #tpu.memory_space<vmem_shared>> -> memref<64x32xf32, #tpu.memory_space<vmem_shared>>
        tpu.wait_dma2 semaphore(%run_scoped3A : memref<!tpu.dma_semaphore, #tpu.memory_space<semaphore_mem>>) src(%arg13 : memref<64x32xf32, #tpu.memory_space<vmem>>) dst(%dma_wait3A_43 : memref<64x32xf32, #tpu.memory_space<vmem_shared>>)
        tpu.yield
      }) : () -> ()
    }
    %scan3A_13 = arith.constant 49 : i32
    %barrier3A = arith.constant 0 : index
    tpu.barrier barrier_id(%barrier3A)
    %scan3A_14 = arith.constant 0 : i32
    %scan3A_15 = arith.constant 200 : i32
    %scan3A_16 = arith.addi %scan3A_14, %scan3A_15 : i32
    %scan3A_17 = arith.constant 1 : i32
    scf.for %scan3A_28 = %scan3A_14 to %scan3A_16 step %scan3A_17  : i32 {
      %mul3A_29 = arith.constant 1 : i32
      %mul3A_30 = arith.muli %scan3A_28, %mul3A_29 : i32
      %add3A_31 = arith.constant 0 : i32
      %add3A_32 = arith.addi %add3A_31, %mul3A_30 : i32
      %mul3A_33 = arith.constant 800 : i32
      %mul3A_34 = arith.muli %arg1, %mul3A_33 : i32
      %mul3A_35 = arith.constant 4 : i32
      %mul3A_36 = arith.muli %add3A_32, %mul3A_35 : i32
      %add3A_37 = arith.addi %mul3A_34, %mul3A_36 : i32
      %mul3A_38 = arith.constant 200 : i32
      %mul3A_39 = arith.muli %arg1, %mul3A_38 : i32
      %add3A_40 = arith.addi %mul3A_39, %add3A_32 : i32
      %mul3A_41 = arith.constant 512 : i32
      %mul3A_42 = arith.muli %add3A_40, %mul3A_41 : i32
      "tpu.region"() ({
        %run_scoped3A_129 = tpu.sem_alloc : memref<!tpu.dma_semaphore, #tpu.memory_space<semaphore_mem>>
        %dma_start3A_130 = arith.constant 0 : i32
        %dma_start3A_131 = tpu.memref_slice %arg3[%add3A_37, %dma_start3A_130] : memref<12800x128xi32, #tpu.memory_space<hbm>> -> memref<4x128xi32, #tpu.memory_space<hbm>>
        %dma_start3A_132 = arith.constant 0 : i32
        %dma_start3A_133 = tpu.memref_slice %arg3[%add3A_37, %dma_start3A_132] : memref<12800x128xi32, #tpu.memory_space<hbm>> -> memref<4x128xi32, #tpu.memory_space<hbm>>
        tpu.enqueue_dma source(%dma_start3A_133 : memref<4x128xi32, #tpu.memory_space<hbm>>) target(%arg8 : memref<4x128xi32, #tpu.memory_space<vmem>>) target_semaphore(%run_scoped3A_129 : memref<!tpu.dma_semaphore, #tpu.memory_space<semaphore_mem>>)
        %dma_wait3A_134 = arith.constant 0 : i32
        %dma_wait3A_135 = tpu.memref_slice %arg3[%add3A_37, %dma_wait3A_134] : memref<12800x128xi32, #tpu.memory_space<hbm>> -> memref<4x128xi32, #tpu.memory_space<hbm>>
        %dma_wait3A_136 = arith.constant 0 : i32
        %dma_wait3A_137 = tpu.memref_slice %arg3[%add3A_37, %dma_wait3A_136] : memref<12800x128xi32, #tpu.memory_space<hbm>> -> memref<4x128xi32, #tpu.memory_space<hbm>>
        tpu.wait_dma2 semaphore(%run_scoped3A_129 : memref<!tpu.dma_semaphore, #tpu.memory_space<semaphore_mem>>) src(%dma_wait3A_137 : memref<4x128xi32, #tpu.memory_space<hbm>>) dst(%arg8 : memref<4x128xi32, #tpu.memory_space<vmem>>)
        tpu.yield
      }) : () -> ()
      "tpu.region"() ({
        %run_scoped3A_129 = tpu.sem_alloc : memref<!tpu.dma_semaphore, #tpu.memory_space<semaphore_mem>>
        %dma_start3A_130 = arith.constant 0 : i32
        %dma_start3A_131 = tpu.memref_slice %arg4[%add3A_37, %dma_start3A_130] : memref<12800x128xi32, #tpu.memory_space<hbm>> -> memref<4x128xi32, #tpu.memory_space<hbm>>
        %dma_start3A_132 = arith.constant 0 : i32
        %dma_start3A_133 = tpu.memref_slice %arg4[%add3A_37, %dma_start3A_132] : memref<12800x128xi32, #tpu.memory_space<hbm>> -> memref<4x128xi32, #tpu.memory_space<hbm>>
        tpu.enqueue_dma source(%dma_start3A_133 : memref<4x128xi32, #tpu.memory_space<hbm>>) target(%arg9 : memref<4x128xi32, #tpu.memory_space<vmem>>) target_semaphore(%run_scoped3A_129 : memref<!tpu.dma_semaphore, #tpu.memory_space<semaphore_mem>>)
        %dma_wait3A_134 = arith.constant 0 : i32
        %dma_wait3A_135 = tpu.memref_slice %arg4[%add3A_37, %dma_wait3A_134] : memref<12800x128xi32, #tpu.memory_space<hbm>> -> memref<4x128xi32, #tpu.memory_space<hbm>>
        %dma_wait3A_136 = arith.constant 0 : i32
        %dma_wait3A_137 = tpu.memref_slice %arg4[%add3A_37, %dma_wait3A_136] : memref<12800x128xi32, #tpu.memory_space<hbm>> -> memref<4x128xi32, #tpu.memory_space<hbm>>
        tpu.wait_dma2 semaphore(%run_scoped3A_129 : memref<!tpu.dma_semaphore, #tpu.memory_space<semaphore_mem>>) src(%dma_wait3A_137 : memref<4x128xi32, #tpu.memory_space<hbm>>) dst(%arg9 : memref<4x128xi32, #tpu.memory_space<vmem>>)
        tpu.yield
      }) : () -> ()
      "tpu.region"() ({
        %run_scoped3A_129 = tpu.sem_alloc : memref<!tpu.dma_semaphore, #tpu.memory_space<semaphore_mem>>
        %dma_start3A_130 = arith.constant 0 : i32
        %dma_start3A_131 = tpu.memref_slice %arg10[%dma_start3A_130] : memref<528xf32, #tpu.memory_space<vmem>> -> memref<512xf32, #tpu.memory_space<vmem>>
        %dma_start3A_132 = tpu.memref_slice %arg5[%mul3A_42] : memref<1638400xf32, #tpu.memory_space<hbm>> -> memref<512xf32, #tpu.memory_space<hbm>>
        %dma_start3A_133 = arith.constant 0 : i32
        %dma_start3A_134 = tpu.memref_slice %arg10[%dma_start3A_133] : memref<528xf32, #tpu.memory_space<vmem>> -> memref<512xf32, #tpu.memory_space<vmem>>
        %dma_start3A_135 = tpu.memref_slice %arg5[%mul3A_42] : memref<1638400xf32, #tpu.memory_space<hbm>> -> memref<512xf32, #tpu.memory_space<hbm>>
        tpu.enqueue_dma source(%dma_start3A_135 : memref<512xf32, #tpu.memory_space<hbm>>) target(%dma_start3A_134 : memref<512xf32, #tpu.memory_space<vmem>>) target_semaphore(%run_scoped3A_129 : memref<!tpu.dma_semaphore, #tpu.memory_space<semaphore_mem>>)
        %dma_wait3A_136 = arith.constant 0 : i32
        %dma_wait3A_137 = tpu.memref_slice %arg10[%dma_wait3A_136] : memref<528xf32, #tpu.memory_space<vmem>> -> memref<512xf32, #tpu.memory_space<vmem>>
        %dma_wait3A_138 = tpu.memref_slice %arg5[%mul3A_42] : memref<1638400xf32, #tpu.memory_space<hbm>> -> memref<512xf32, #tpu.memory_space<hbm>>
        %dma_wait3A_139 = arith.constant 0 : i32
        %dma_wait3A_140 = tpu.memref_slice %arg10[%dma_wait3A_139] : memref<528xf32, #tpu.memory_space<vmem>> -> memref<512xf32, #tpu.memory_space<vmem>>
        %dma_wait3A_141 = tpu.memref_slice %arg5[%mul3A_42] : memref<1638400xf32, #tpu.memory_space<hbm>> -> memref<512xf32, #tpu.memory_space<hbm>>
        tpu.wait_dma2 semaphore(%run_scoped3A_129 : memref<!tpu.dma_semaphore, #tpu.memory_space<semaphore_mem>>) src(%dma_wait3A_141 : memref<512xf32, #tpu.memory_space<hbm>>) dst(%dma_wait3A_140 : memref<512xf32, #tpu.memory_space<vmem>>)
        tpu.yield
      }) : () -> ()
      %dma_start3A = arith.constant 0 : i32
      %dma_start3A_43 = arith.constant 0 : i32
      %dma_start3A_44 = arith.constant 0 : i32
      %dma_start3A_45 = tpu.memref_slice %arg12[%dma_start3A_43, %dma_start3A_44] : memref<512x32xf32, #tpu.memory_space<vmem>> -> memref<128x32xf32, #tpu.memory_space<vmem>>
      %dma_start3A_46 = arith.constant 0 : i32
      %dma_start3A_47 = tpu.memref_slice %arg8[%dma_start3A, %dma_start3A_46] : memref<4x128xi32, #tpu.memory_space<vmem>> -> memref<1x128xi32, #tpu.memory_space<vmem>>
      %dma_start3A_48 = tpu.memref_squeeze %dma_start3A_47 : memref<1x128xi32, #tpu.memory_space<vmem>> -> memref<128xi32, #tpu.memory_space<vmem>>
      %dma_start3A_49 = arith.constant 0 : i32
      %dma_start3A_50 = arith.constant 0 : i32
      %dma_start3A_51 = tpu.memref_slice %arg2[%dma_start3A_49, %dma_start3A_50] : memref<100000x32xf32, #tpu.memory_space<hbm>> -> memref<100000x32xf32, #tpu.memory_space<hbm>>
      tpu.enqueue_indirect_dma source(%dma_start3A_51 : memref<100000x32xf32, #tpu.memory_space<hbm>>) target(%dma_start3A_45 : memref<128x32xf32, #tpu.memory_space<vmem>>) offsets(%dma_start3A_48 : memref<128xi32, #tpu.memory_space<vmem>>) semaphore(%arg14 : memref<!tpu.dma_semaphore, #tpu.memory_space<semaphore_mem>>)
      %dma_start3A_52 = arith.constant 1 : i32
      %dma_start3A_53 = arith.constant 128 : i32
      %dma_start3A_54 = arith.constant 0 : i32
      %dma_start3A_55 = tpu.memref_slice %arg12[%dma_start3A_53, %dma_start3A_54] : memref<512x32xf32, #tpu.memory_space<vmem>> -> memref<128x32xf32, #tpu.memory_space<vmem>>
      %dma_start3A_56 = arith.constant 0 : i32
      %dma_start3A_57 = tpu.memref_slice %arg8[%dma_start3A_52, %dma_start3A_56] : memref<4x128xi32, #tpu.memory_space<vmem>> -> memref<1x128xi32, #tpu.memory_space<vmem>>
      %dma_start3A_58 = tpu.memref_squeeze %dma_start3A_57 : memref<1x128xi32, #tpu.memory_space<vmem>> -> memref<128xi32, #tpu.memory_space<vmem>>
      %dma_start3A_59 = arith.constant 0 : i32
      %dma_start3A_60 = arith.constant 0 : i32
      %dma_start3A_61 = tpu.memref_slice %arg2[%dma_start3A_59, %dma_start3A_60] : memref<100000x32xf32, #tpu.memory_space<hbm>> -> memref<100000x32xf32, #tpu.memory_space<hbm>>
      tpu.enqueue_indirect_dma source(%dma_start3A_61 : memref<100000x32xf32, #tpu.memory_space<hbm>>) target(%dma_start3A_55 : memref<128x32xf32, #tpu.memory_space<vmem>>) offsets(%dma_start3A_58 : memref<128xi32, #tpu.memory_space<vmem>>) semaphore(%arg14 : memref<!tpu.dma_semaphore, #tpu.memory_space<semaphore_mem>>)
      %dma_start3A_62 = arith.constant 2 : i32
      %dma_start3A_63 = arith.constant 256 : i32
      %dma_start3A_64 = arith.constant 0 : i32
      %dma_start3A_65 = tpu.memref_slice %arg12[%dma_start3A_63, %dma_start3A_64] : memref<512x32xf32, #tpu.memory_space<vmem>> -> memref<128x32xf32, #tpu.memory_space<vmem>>
      %dma_start3A_66 = arith.constant 0 : i32
      %dma_start3A_67 = tpu.memref_slice %arg8[%dma_start3A_62, %dma_start3A_66] : memref<4x128xi32, #tpu.memory_space<vmem>> -> memref<1x128xi32, #tpu.memory_space<vmem>>
      %dma_start3A_68 = tpu.memref_squeeze %dma_start3A_67 : memref<1x128xi32, #tpu.memory_space<vmem>> -> memref<128xi32, #tpu.memory_space<vmem>>
      %dma_start3A_69 = arith.constant 0 : i32
      %dma_start3A_70 = arith.constant 0 : i32
      %dma_start3A_71 = tpu.memref_slice %arg2[%dma_start3A_69, %dma_start3A_70] : memref<100000x32xf32, #tpu.memory_space<hbm>> -> memref<100000x32xf32, #tpu.memory_space<hbm>>
      tpu.enqueue_indirect_dma source(%dma_start3A_71 : memref<100000x32xf32, #tpu.memory_space<hbm>>) target(%dma_start3A_65 : memref<128x32xf32, #tpu.memory_space<vmem>>) offsets(%dma_start3A_68 : memref<128xi32, #tpu.memory_space<vmem>>) semaphore(%arg14 : memref<!tpu.dma_semaphore, #tpu.memory_space<semaphore_mem>>)
      %dma_start3A_72 = arith.constant 3 : i32
      %dma_start3A_73 = arith.constant 384 : i32
      %dma_start3A_74 = arith.constant 0 : i32
      %dma_start3A_75 = tpu.memref_slice %arg12[%dma_start3A_73, %dma_start3A_74] : memref<512x32xf32, #tpu.memory_space<vmem>> -> memref<128x32xf32, #tpu.memory_space<vmem>>
      %dma_start3A_76 = arith.constant 0 : i32
      %dma_start3A_77 = tpu.memref_slice %arg8[%dma_start3A_72, %dma_start3A_76] : memref<4x128xi32, #tpu.memory_space<vmem>> -> memref<1x128xi32, #tpu.memory_space<vmem>>
      %dma_start3A_78 = tpu.memref_squeeze %dma_start3A_77 : memref<1x128xi32, #tpu.memory_space<vmem>> -> memref<128xi32, #tpu.memory_space<vmem>>
      %dma_start3A_79 = arith.constant 0 : i32
      %dma_start3A_80 = arith.constant 0 : i32
      %dma_start3A_81 = tpu.memref_slice %arg2[%dma_start3A_79, %dma_start3A_80] : memref<100000x32xf32, #tpu.memory_space<hbm>> -> memref<100000x32xf32, #tpu.memory_space<hbm>>
      tpu.enqueue_indirect_dma source(%dma_start3A_81 : memref<100000x32xf32, #tpu.memory_space<hbm>>) target(%dma_start3A_75 : memref<128x32xf32, #tpu.memory_space<vmem>>) offsets(%dma_start3A_78 : memref<128xi32, #tpu.memory_space<vmem>>) semaphore(%arg14 : memref<!tpu.dma_semaphore, #tpu.memory_space<semaphore_mem>>)
      %dma_wait3A = arith.constant 0 : i32
      %dma_wait3A_82 = arith.constant 0 : i32
      %dma_wait3A_83 = arith.constant 0 : i32
      %dma_wait3A_84 = tpu.memref_slice %arg12[%dma_wait3A_82, %dma_wait3A_83] : memref<512x32xf32, #tpu.memory_space<vmem>> -> memref<128x32xf32, #tpu.memory_space<vmem>>
      %dma_wait3A_85 = arith.constant 0 : i32
      %dma_wait3A_86 = tpu.memref_slice %arg8[%dma_wait3A, %dma_wait3A_85] : memref<4x128xi32, #tpu.memory_space<vmem>> -> memref<1x128xi32, #tpu.memory_space<vmem>>
      %dma_wait3A_87 = tpu.memref_squeeze %dma_wait3A_86 : memref<1x128xi32, #tpu.memory_space<vmem>> -> memref<128xi32, #tpu.memory_space<vmem>>
      %dma_wait3A_88 = arith.constant 0 : i32
      %dma_wait3A_89 = arith.constant 0 : i32
      %dma_wait3A_90 = tpu.memref_slice %arg2[%dma_wait3A_88, %dma_wait3A_89] : memref<100000x32xf32, #tpu.memory_space<hbm>> -> memref<100000x32xf32, #tpu.memory_space<hbm>>
      tpu.wait_indirect_dma semaphore(%arg14 : memref<!tpu.dma_semaphore, #tpu.memory_space<semaphore_mem>>) src(%dma_wait3A_90 : memref<100000x32xf32, #tpu.memory_space<hbm>>) dst(%dma_wait3A_84 : memref<128x32xf32, #tpu.memory_space<vmem>>)
      %dma_wait3A_91 = arith.constant 1 : i32
      %dma_wait3A_92 = arith.constant 128 : i32
      %dma_wait3A_93 = arith.constant 0 : i32
      %dma_wait3A_94 = tpu.memref_slice %arg12[%dma_wait3A_92, %dma_wait3A_93] : memref<512x32xf32, #tpu.memory_space<vmem>> -> memref<128x32xf32, #tpu.memory_space<vmem>>
      %dma_wait3A_95 = arith.constant 0 : i32
      %dma_wait3A_96 = tpu.memref_slice %arg8[%dma_wait3A_91, %dma_wait3A_95] : memref<4x128xi32, #tpu.memory_space<vmem>> -> memref<1x128xi32, #tpu.memory_space<vmem>>
      %dma_wait3A_97 = tpu.memref_squeeze %dma_wait3A_96 : memref<1x128xi32, #tpu.memory_space<vmem>> -> memref<128xi32, #tpu.memory_space<vmem>>
      %dma_wait3A_98 = arith.constant 0 : i32
      %dma_wait3A_99 = arith.constant 0 : i32
      %dma_wait3A_100 = tpu.memref_slice %arg2[%dma_wait3A_98, %dma_wait3A_99] : memref<100000x32xf32, #tpu.memory_space<hbm>> -> memref<100000x32xf32, #tpu.memory_space<hbm>>
      tpu.wait_indirect_dma semaphore(%arg14 : memref<!tpu.dma_semaphore, #tpu.memory_space<semaphore_mem>>) src(%dma_wait3A_100 : memref<100000x32xf32, #tpu.memory_space<hbm>>) dst(%dma_wait3A_94 : memref<128x32xf32, #tpu.memory_space<vmem>>)
      %dma_wait3A_101 = arith.constant 2 : i32
      %dma_wait3A_102 = arith.constant 256 : i32
      %dma_wait3A_103 = arith.constant 0 : i32
      %dma_wait3A_104 = tpu.memref_slice %arg12[%dma_wait3A_102, %dma_wait3A_103] : memref<512x32xf32, #tpu.memory_space<vmem>> -> memref<128x32xf32, #tpu.memory_space<vmem>>
      %dma_wait3A_105 = arith.constant 0 : i32
      %dma_wait3A_106 = tpu.memref_slice %arg8[%dma_wait3A_101, %dma_wait3A_105] : memref<4x128xi32, #tpu.memory_space<vmem>> -> memref<1x128xi32, #tpu.memory_space<vmem>>
      %dma_wait3A_107 = tpu.memref_squeeze %dma_wait3A_106 : memref<1x128xi32, #tpu.memory_space<vmem>> -> memref<128xi32, #tpu.memory_space<vmem>>
      %dma_wait3A_108 = arith.constant 0 : i32
      %dma_wait3A_109 = arith.constant 0 : i32
      %dma_wait3A_110 = tpu.memref_slice %arg2[%dma_wait3A_108, %dma_wait3A_109] : memref<100000x32xf32, #tpu.memory_space<hbm>> -> memref<100000x32xf32, #tpu.memory_space<hbm>>
      tpu.wait_indirect_dma semaphore(%arg14 : memref<!tpu.dma_semaphore, #tpu.memory_space<semaphore_mem>>) src(%dma_wait3A_110 : memref<100000x32xf32, #tpu.memory_space<hbm>>) dst(%dma_wait3A_104 : memref<128x32xf32, #tpu.memory_space<vmem>>)
      %dma_wait3A_111 = arith.constant 3 : i32
      %dma_wait3A_112 = arith.constant 384 : i32
      %dma_wait3A_113 = arith.constant 0 : i32
      %dma_wait3A_114 = tpu.memref_slice %arg12[%dma_wait3A_112, %dma_wait3A_113] : memref<512x32xf32, #tpu.memory_space<vmem>> -> memref<128x32xf32, #tpu.memory_space<vmem>>
      %dma_wait3A_115 = arith.constant 0 : i32
      %dma_wait3A_116 = tpu.memref_slice %arg8[%dma_wait3A_111, %dma_wait3A_115] : memref<4x128xi32, #tpu.memory_space<vmem>> -> memref<1x128xi32, #tpu.memory_space<vmem>>
      %dma_wait3A_117 = tpu.memref_squeeze %dma_wait3A_116 : memref<1x128xi32, #tpu.memory_space<vmem>> -> memref<128xi32, #tpu.memory_space<vmem>>
      %dma_wait3A_118 = arith.constant 0 : i32
      %dma_wait3A_119 = arith.constant 0 : i32
      %dma_wait3A_120 = tpu.memref_slice %arg2[%dma_wait3A_118, %dma_wait3A_119] : memref<100000x32xf32, #tpu.memory_space<hbm>> -> memref<100000x32xf32, #tpu.memory_space<hbm>>
      tpu.wait_indirect_dma semaphore(%arg14 : memref<!tpu.dma_semaphore, #tpu.memory_space<semaphore_mem>>) src(%dma_wait3A_120 : memref<100000x32xf32, #tpu.memory_space<hbm>>) dst(%dma_wait3A_114 : memref<128x32xf32, #tpu.memory_space<vmem>>)
      %parallel_loop3A = arith.constant 0 : i32
      %parallel_loop3A_121 = arith.constant 32 : i32
      %parallel_loop3A_122 = arith.constant 1 : i32
      scf.for %parallel_loop3A_129 = %parallel_loop3A to %parallel_loop3A_121 step %parallel_loop3A_122  : i32 {
        %parallel_loop3A_130 = arith.constant 8 : i32
        %parallel_loop3A_131 = arith.divsi %parallel_loop3A_129, %parallel_loop3A_130 : i32
        %parallel_loop3A_132 = arith.constant 0 : i32
        %parallel_loop3A_133 = arith.cmpi sgt, %parallel_loop3A_129, %parallel_loop3A_132 : i32
        %parallel_loop3A_134 = arith.extui %parallel_loop3A_133 : i1 to i32
        %parallel_loop3A_135 = arith.constant 0 : i32
        %parallel_loop3A_136 = arith.cmpi slt, %parallel_loop3A_129, %parallel_loop3A_135 : i32
        %parallel_loop3A_137 = arith.extui %parallel_loop3A_136 : i1 to i32
        %parallel_loop3A_138 = arith.subi %parallel_loop3A_134, %parallel_loop3A_137 : i32
        %parallel_loop3A_139 = arith.constant 0 : i32
        %parallel_loop3A_140 = arith.cmpi sgt, %parallel_loop3A_130, %parallel_loop3A_139 : i32
        %parallel_loop3A_141 = arith.extui %parallel_loop3A_140 : i1 to i32
        %parallel_loop3A_142 = arith.constant 0 : i32
        %parallel_loop3A_143 = arith.cmpi slt, %parallel_loop3A_130, %parallel_loop3A_142 : i32
        %parallel_loop3A_144 = arith.extui %parallel_loop3A_143 : i1 to i32
        %parallel_loop3A_145 = arith.subi %parallel_loop3A_141, %parallel_loop3A_144 : i32
        %parallel_loop3A_146 = arith.cmpi ne, %parallel_loop3A_138, %parallel_loop3A_145 : i32
        %parallel_loop3A_147 = arith.remsi %parallel_loop3A_129, %parallel_loop3A_130 : i32
        %parallel_loop3A_148 = arith.constant 0 : i32
        %parallel_loop3A_149 = arith.cmpi ne, %parallel_loop3A_147, %parallel_loop3A_148 : i32
        %parallel_loop3A_150 = arith.andi %parallel_loop3A_146, %parallel_loop3A_149 : i1
        %parallel_loop3A_151 = arith.constant 1 : i32
        %parallel_loop3A_152 = arith.subi %parallel_loop3A_131, %parallel_loop3A_151 : i32
        %parallel_loop3A_153 = arith.select %parallel_loop3A_150, %parallel_loop3A_152, %parallel_loop3A_131 : i32
        %parallel_loop3A_154 = arith.constant 8 : i32
        %parallel_loop3A_155 = arith.constant 0 : i32
        %parallel_loop3A_156 = arith.cmpi eq, %parallel_loop3A_154, %parallel_loop3A_155 : i32
        %parallel_loop3A_157 = arith.constant 1 : i32
        %parallel_loop3A_158 = arith.select %parallel_loop3A_156, %parallel_loop3A_157, %parallel_loop3A_154 : i32
        %parallel_loop3A_159 = arith.remsi %parallel_loop3A_129, %parallel_loop3A_158 : i32
        %parallel_loop3A_160 = arith.constant 0 : i32
        %parallel_loop3A_161 = arith.cmpi ne, %parallel_loop3A_159, %parallel_loop3A_160 : i32
        %parallel_loop3A_162 = arith.constant 0 : i32
        %parallel_loop3A_163 = arith.cmpi slt, %parallel_loop3A_159, %parallel_loop3A_162 : i32
        %parallel_loop3A_164 = arith.constant 0 : i32
        %parallel_loop3A_165 = arith.cmpi slt, %parallel_loop3A_158, %parallel_loop3A_164 : i32
        %parallel_loop3A_166 = arith.xori %parallel_loop3A_163, %parallel_loop3A_165 : i1
        %parallel_loop3A_167 = arith.andi %parallel_loop3A_166, %parallel_loop3A_161 : i1
        %parallel_loop3A_168 = arith.addi %parallel_loop3A_159, %parallel_loop3A_158 : i32
        %parallel_loop3A_169 = arith.select %parallel_loop3A_167, %parallel_loop3A_168, %parallel_loop3A_159 : i32
        %parallel_loop3A_170 = arith.constant 16 : i32
        %parallel_loop3A_171 = arith.muli %parallel_loop3A_169, %parallel_loop3A_170 : i32
        %parallel_loop3A_172 = arith.index_cast %parallel_loop3A_153 : i32 to index
        %parallel_loop3A_173 = arith.index_cast %parallel_loop3A_171 : i32 to index
        %parallel_loop3A_174 = tpu.vector_load %arg9[%parallel_loop3A_172, %parallel_loop3A_173] {strides = array<i32>} : memref<4x128xi32, #tpu.memory_space<vmem>>, vector<1x16xi32>,
        %parallel_loop3A_175 = vector.shape_cast %parallel_loop3A_174 : vector<1x16xi32> to vector<16xi32>
        %parallel_loop3A_176 = vector.broadcast %mul3A_0 : i32 to vector<16xi32>
        %parallel_loop3A_177 = arith.subi %parallel_loop3A_175, %parallel_loop3A_176 : vector<16xi32>
        %parallel_loop3A_178 = arith.constant 0 : i32
        %parallel_loop3A_179 = vector.broadcast %parallel_loop3A_178 : i32 to vector<16xi32>
        %parallel_loop3A_180 = arith.cmpi sge, %parallel_loop3A_177, %parallel_loop3A_179 : vector<16xi32>
        %parallel_loop3A_181 = arith.constant 50000 : i32
        %parallel_loop3A_182 = vector.broadcast %parallel_loop3A_181 : i32 to vector<16xi32>
        %parallel_loop3A_183 = arith.cmpi slt, %parallel_loop3A_177, %parallel_loop3A_182 : vector<16xi32>
        %parallel_loop3A_184 = arith.andi %parallel_loop3A_180, %parallel_loop3A_183 : vector<16xi1>
        %parallel_loop3A_185 = vector.broadcast %add3A_3 : i32 to vector<16xi32>
        %parallel_loop3A_186 = arith.select %parallel_loop3A_184, %parallel_loop3A_177, %parallel_loop3A_185 : vector<16xi1>, vector<16xi32>
        %parallel_loop3A_187 = arith.index_cast %parallel_loop3A_153 : i32 to index
        %parallel_loop3A_188 = arith.index_cast %parallel_loop3A_171 : i32 to index
        %parallel_loop3A_189 = tpu.vector_load %arg11[%parallel_loop3A_187, %parallel_loop3A_188] {strides = array<i32>} : memref<4x128xi32, #tpu.memory_space<vmem>>, vector<1x16xi32>,
        %parallel_loop3A_190 = vector.shape_cast %parallel_loop3A_189 : vector<1x16xi32> to vector<16xi32>
        %parallel_loop3A_191 = vector.shape_cast %parallel_loop3A_186 : vector<16xi32> to vector<1x16xi32>
        tpu.vector_store %arg11[%parallel_loop3A_187, %parallel_loop3A_188], %parallel_loop3A_191 {strides = array<i32>} : memref<4x128xi32, #tpu.memory_space<vmem>>, vector<1x16xi32>,
      } {sc.loop_unroll_factor = 1 : i64, sc.parallel_access}
      %parallel_loop3A_123 = arith.constant 0 : i32
      %parallel_loop3A_124 = arith.constant 512 : i32
      %parallel_loop3A_125 = arith.constant 1 : i32
      scf.for %parallel_loop3A_129 = %parallel_loop3A_123 to %parallel_loop3A_124 step %parallel_loop3A_125  : i32 {
        %parallel_loop3A_130 = arith.index_cast %parallel_loop3A_129 : i32 to index
        %parallel_loop3A_131 = tpu.vector_load %arg10[%parallel_loop3A_130] {strides = array<i32>} : memref<528xf32, #tpu.memory_space<vmem>>, vector<16xf32>,
        %parallel_loop3A_132 = vector.shape_cast %parallel_loop3A_131 : vector<16xf32> to vector<16xf32>
        %parallel_loop3A_133 = vector.extract_strided_slice %parallel_loop3A_132 {offsets = [0], sizes = [1], strides = [1]} : vector<16xf32> to vector<1xf32>
        %parallel_loop3A_134 = vector.extract %parallel_loop3A_133[0] : f32 from vector<1xf32>
        %parallel_loop3A_135 = arith.index_cast %parallel_loop3A_129 : i32 to index
        %parallel_loop3A_136 = arith.constant 0 : index
        %parallel_loop3A_137 = tpu.vector_load %arg12[%parallel_loop3A_135, %parallel_loop3A_136] {strides = array<i32>} : memref<512x32xf32, #tpu.memory_space<vmem>>, vector<1x16xf32>,
        %parallel_loop3A_138 = vector.shape_cast %parallel_loop3A_137 : vector<1x16xf32> to vector<16xf32>
        %parallel_loop3A_139 = vector.broadcast %parallel_loop3A_134 : f32 to vector<16xf32>
        %parallel_loop3A_140 = arith.mulf %parallel_loop3A_138, %parallel_loop3A_139 : vector<16xf32>
        %parallel_loop3A_141 = arith.index_cast %parallel_loop3A_129 : i32 to index
        %parallel_loop3A_142 = arith.constant 0 : index
        %parallel_loop3A_143 = tpu.vector_load %arg12[%parallel_loop3A_141, %parallel_loop3A_142] {strides = array<i32>} : memref<512x32xf32, #tpu.memory_space<vmem>>, vector<1x16xf32>,
        %parallel_loop3A_144 = vector.shape_cast %parallel_loop3A_143 : vector<1x16xf32> to vector<16xf32>
        %parallel_loop3A_145 = vector.shape_cast %parallel_loop3A_140 : vector<16xf32> to vector<1x16xf32>
        tpu.vector_store %arg12[%parallel_loop3A_141, %parallel_loop3A_142], %parallel_loop3A_145 {strides = array<i32>} : memref<512x32xf32, #tpu.memory_space<vmem>>, vector<1x16xf32>,
        %parallel_loop3A_146 = arith.index_cast %parallel_loop3A_129 : i32 to index
        %parallel_loop3A_147 = arith.constant 16 : index
        %parallel_loop3A_148 = tpu.vector_load %arg12[%parallel_loop3A_146, %parallel_loop3A_147] {strides = array<i32>} : memref<512x32xf32, #tpu.memory_space<vmem>>, vector<1x16xf32>,
        %parallel_loop3A_149 = vector.shape_cast %parallel_loop3A_148 : vector<1x16xf32> to vector<16xf32>
        %parallel_loop3A_150 = vector.broadcast %parallel_loop3A_134 : f32 to vector<16xf32>
        %parallel_loop3A_151 = arith.mulf %parallel_loop3A_149, %parallel_loop3A_150 : vector<16xf32>
        %parallel_loop3A_152 = arith.index_cast %parallel_loop3A_129 : i32 to index
        %parallel_loop3A_153 = arith.constant 16 : index
        %parallel_loop3A_154 = tpu.vector_load %arg12[%parallel_loop3A_152, %parallel_loop3A_153] {strides = array<i32>} : memref<512x32xf32, #tpu.memory_space<vmem>>, vector<1x16xf32>,
        %parallel_loop3A_155 = vector.shape_cast %parallel_loop3A_154 : vector<1x16xf32> to vector<16xf32>
        %parallel_loop3A_156 = vector.shape_cast %parallel_loop3A_151 : vector<16xf32> to vector<1x16xf32>
        tpu.vector_store %arg12[%parallel_loop3A_152, %parallel_loop3A_153], %parallel_loop3A_156 {strides = array<i32>} : memref<512x32xf32, #tpu.memory_space<vmem>>, vector<1x16xf32>,
      } {sc.loop_unroll_factor = 1 : i64, sc.parallel_access}
      %run_scoped3A = arith.constant 0 : i32
      "tpu.region"() ({
        %run_scoped3A_129 = tpu.sem_alloc : memref<!tpu.dma_semaphore, #tpu.memory_space<semaphore_mem>>
        %dma_start3A_130 = arith.constant 0 : i32
        %dma_start3A_131 = arith.constant 0 : i32
        %dma_start3A_132 = tpu.memref_slice %arg12[%dma_start3A_130, %dma_start3A_131] : memref<512x32xf32, #tpu.memory_space<vmem>> -> memref<128x32xf32, #tpu.memory_space<vmem>>
        %dma_start3A_133 = arith.constant 0 : i32
        %dma_start3A_134 = tpu.memref_slice %arg11[%run_scoped3A, %dma_start3A_133] : memref<4x128xi32, #tpu.memory_space<vmem>> -> memref<1x128xi32, #tpu.memory_space<vmem>>
        %dma_start3A_135 = tpu.memref_squeeze %dma_start3A_134 : memref<1x128xi32, #tpu.memory_space<vmem>> -> memref<128xi32, #tpu.memory_space<vmem>>
        %dma_start3A_136 = arith.constant 0 : i32
        %dma_start3A_137 = arith.constant 0 : i32
        %dma_start3A_138 = tpu.memref_slice %arg7[%dma_start3A_136, %dma_start3A_137] : memref<50176x32xf32, #tpu.memory_space<vmem_shared>> -> memref<50176x32xf32, #tpu.memory_space<vmem_shared>>
        tpu.enqueue_indirect_dma source(%dma_start3A_132 : memref<128x32xf32, #tpu.memory_space<vmem>>) target(%dma_start3A_138 : memref<50176x32xf32, #tpu.memory_space<vmem_shared>>) offsets(%dma_start3A_135 : memref<128xi32, #tpu.memory_space<vmem>>) semaphore(%run_scoped3A_129 : memref<!tpu.dma_semaphore, #tpu.memory_space<semaphore_mem>>) {add = true}
        %dma_wait3A_139 = arith.constant 0 : i32
        %dma_wait3A_140 = arith.constant 0 : i32
        %dma_wait3A_141 = tpu.memref_slice %arg12[%dma_wait3A_139, %dma_wait3A_140] : memref<512x32xf32, #tpu.memory_space<vmem>> -> memref<128x32xf32, #tpu.memory_space<vmem>>
        %dma_wait3A_142 = arith.constant 0 : i32
        %dma_wait3A_143 = tpu.memref_slice %arg11[%run_scoped3A, %dma_wait3A_142] : memref<4x128xi32, #tpu.memory_space<vmem>> -> memref<1x128xi32, #tpu.memory_space<vmem>>
        %dma_wait3A_144 = tpu.memref_squeeze %dma_wait3A_143 : memref<1x128xi32, #tpu.memory_space<vmem>> -> memref<128xi32, #tpu.memory_space<vmem>>
        %dma_wait3A_145 = arith.constant 0 : i32
        %dma_wait3A_146 = arith.constant 0 : i32
        %dma_wait3A_147 = tpu.memref_slice %arg7[%dma_wait3A_145, %dma_wait3A_146] : memref<50176x32xf32, #tpu.memory_space<vmem_shared>> -> memref<50176x32xf32, #tpu.memory_space<vmem_shared>>
        tpu.wait_indirect_dma semaphore(%run_scoped3A_129 : memref<!tpu.dma_semaphore, #tpu.memory_space<semaphore_mem>>) src(%dma_wait3A_141 : memref<128x32xf32, #tpu.memory_space<vmem>>) dst(%dma_wait3A_147 : memref<50176x32xf32, #tpu.memory_space<vmem_shared>>)
        tpu.yield
      }) : () -> ()
      %run_scoped3A_126 = arith.constant 1 : i32
      "tpu.region"() ({
        %run_scoped3A_129 = tpu.sem_alloc : memref<!tpu.dma_semaphore, #tpu.memory_space<semaphore_mem>>
        %dma_start3A_130 = arith.constant 128 : i32
        %dma_start3A_131 = arith.constant 0 : i32
        %dma_start3A_132 = tpu.memref_slice %arg12[%dma_start3A_130, %dma_start3A_131] : memref<512x32xf32, #tpu.memory_space<vmem>> -> memref<128x32xf32, #tpu.memory_space<vmem>>
        %dma_start3A_133 = arith.constant 0 : i32
        %dma_start3A_134 = tpu.memref_slice %arg11[%run_scoped3A_126, %dma_start3A_133] : memref<4x128xi32, #tpu.memory_space<vmem>> -> memref<1x128xi32, #tpu.memory_space<vmem>>
        %dma_start3A_135 = tpu.memref_squeeze %dma_start3A_134 : memref<1x128xi32, #tpu.memory_space<vmem>> -> memref<128xi32, #tpu.memory_space<vmem>>
        %dma_start3A_136 = arith.constant 0 : i32
        %dma_start3A_137 = arith.constant 0 : i32
        %dma_start3A_138 = tpu.memref_slice %arg7[%dma_start3A_136, %dma_start3A_137] : memref<50176x32xf32, #tpu.memory_space<vmem_shared>> -> memref<50176x32xf32, #tpu.memory_space<vmem_shared>>
        tpu.enqueue_indirect_dma source(%dma_start3A_132 : memref<128x32xf32, #tpu.memory_space<vmem>>) target(%dma_start3A_138 : memref<50176x32xf32, #tpu.memory_space<vmem_shared>>) offsets(%dma_start3A_135 : memref<128xi32, #tpu.memory_space<vmem>>) semaphore(%run_scoped3A_129 : memref<!tpu.dma_semaphore, #tpu.memory_space<semaphore_mem>>) {add = true}
        %dma_wait3A_139 = arith.constant 128 : i32
        %dma_wait3A_140 = arith.constant 0 : i32
        %dma_wait3A_141 = tpu.memref_slice %arg12[%dma_wait3A_139, %dma_wait3A_140] : memref<512x32xf32, #tpu.memory_space<vmem>> -> memref<128x32xf32, #tpu.memory_space<vmem>>
        %dma_wait3A_142 = arith.constant 0 : i32
        %dma_wait3A_143 = tpu.memref_slice %arg11[%run_scoped3A_126, %dma_wait3A_142] : memref<4x128xi32, #tpu.memory_space<vmem>> -> memref<1x128xi32, #tpu.memory_space<vmem>>
        %dma_wait3A_144 = tpu.memref_squeeze %dma_wait3A_143 : memref<1x128xi32, #tpu.memory_space<vmem>> -> memref<128xi32, #tpu.memory_space<vmem>>
        %dma_wait3A_145 = arith.constant 0 : i32
        %dma_wait3A_146 = arith.constant 0 : i32
        %dma_wait3A_147 = tpu.memref_slice %arg7[%dma_wait3A_145, %dma_wait3A_146] : memref<50176x32xf32, #tpu.memory_space<vmem_shared>> -> memref<50176x32xf32, #tpu.memory_space<vmem_shared>>
        tpu.wait_indirect_dma semaphore(%run_scoped3A_129 : memref<!tpu.dma_semaphore, #tpu.memory_space<semaphore_mem>>) src(%dma_wait3A_141 : memref<128x32xf32, #tpu.memory_space<vmem>>) dst(%dma_wait3A_147 : memref<50176x32xf32, #tpu.memory_space<vmem_shared>>)
        tpu.yield
      }) : () -> ()
      %run_scoped3A_127 = arith.constant 2 : i32
      "tpu.region"() ({
        %run_scoped3A_129 = tpu.sem_alloc : memref<!tpu.dma_semaphore, #tpu.memory_space<semaphore_mem>>
        %dma_start3A_130 = arith.constant 256 : i32
        %dma_start3A_131 = arith.constant 0 : i32
        %dma_start3A_132 = tpu.memref_slice %arg12[%dma_start3A_130, %dma_start3A_131] : memref<512x32xf32, #tpu.memory_space<vmem>> -> memref<128x32xf32, #tpu.memory_space<vmem>>
        %dma_start3A_133 = arith.constant 0 : i32
        %dma_start3A_134 = tpu.memref_slice %arg11[%run_scoped3A_127, %dma_start3A_133] : memref<4x128xi32, #tpu.memory_space<vmem>> -> memref<1x128xi32, #tpu.memory_space<vmem>>
        %dma_start3A_135 = tpu.memref_squeeze %dma_start3A_134 : memref<1x128xi32, #tpu.memory_space<vmem>> -> memref<128xi32, #tpu.memory_space<vmem>>
        %dma_start3A_136 = arith.constant 0 : i32
        %dma_start3A_137 = arith.constant 0 : i32
        %dma_start3A_138 = tpu.memref_slice %arg7[%dma_start3A_136, %dma_start3A_137] : memref<50176x32xf32, #tpu.memory_space<vmem_shared>> -> memref<50176x32xf32, #tpu.memory_space<vmem_shared>>
        tpu.enqueue_indirect_dma source(%dma_start3A_132 : memref<128x32xf32, #tpu.memory_space<vmem>>) target(%dma_start3A_138 : memref<50176x32xf32, #tpu.memory_space<vmem_shared>>) offsets(%dma_start3A_135 : memref<128xi32, #tpu.memory_space<vmem>>) semaphore(%run_scoped3A_129 : memref<!tpu.dma_semaphore, #tpu.memory_space<semaphore_mem>>) {add = true}
        %dma_wait3A_139 = arith.constant 256 : i32
        %dma_wait3A_140 = arith.constant 0 : i32
        %dma_wait3A_141 = tpu.memref_slice %arg12[%dma_wait3A_139, %dma_wait3A_140] : memref<512x32xf32, #tpu.memory_space<vmem>> -> memref<128x32xf32, #tpu.memory_space<vmem>>
        %dma_wait3A_142 = arith.constant 0 : i32
        %dma_wait3A_143 = tpu.memref_slice %arg11[%run_scoped3A_127, %dma_wait3A_142] : memref<4x128xi32, #tpu.memory_space<vmem>> -> memref<1x128xi32, #tpu.memory_space<vmem>>
        %dma_wait3A_144 = tpu.memref_squeeze %dma_wait3A_143 : memref<1x128xi32, #tpu.memory_space<vmem>> -> memref<128xi32, #tpu.memory_space<vmem>>
        %dma_wait3A_145 = arith.constant 0 : i32
        %dma_wait3A_146 = arith.constant 0 : i32
        %dma_wait3A_147 = tpu.memref_slice %arg7[%dma_wait3A_145, %dma_wait3A_146] : memref<50176x32xf32, #tpu.memory_space<vmem_shared>> -> memref<50176x32xf32, #tpu.memory_space<vmem_shared>>
        tpu.wait_indirect_dma semaphore(%run_scoped3A_129 : memref<!tpu.dma_semaphore, #tpu.memory_space<semaphore_mem>>) src(%dma_wait3A_141 : memref<128x32xf32, #tpu.memory_space<vmem>>) dst(%dma_wait3A_147 : memref<50176x32xf32, #tpu.memory_space<vmem_shared>>)
        tpu.yield
      }) : () -> ()
      %run_scoped3A_128 = arith.constant 3 : i32
      "tpu.region"() ({
        %run_scoped3A_129 = tpu.sem_alloc : memref<!tpu.dma_semaphore, #tpu.memory_space<semaphore_mem>>
        %dma_start3A_130 = arith.constant 384 : i32
        %dma_start3A_131 = arith.constant 0 : i32
        %dma_start3A_132 = tpu.memref_slice %arg12[%dma_start3A_130, %dma_start3A_131] : memref<512x32xf32, #tpu.memory_space<vmem>> -> memref<128x32xf32, #tpu.memory_space<vmem>>
        %dma_start3A_133 = arith.constant 0 : i32
        %dma_start3A_134 = tpu.memref_slice %arg11[%run_scoped3A_128, %dma_start3A_133] : memref<4x128xi32, #tpu.memory_space<vmem>> -> memref<1x128xi32, #tpu.memory_space<vmem>>
        %dma_start3A_135 = tpu.memref_squeeze %dma_start3A_134 : memref<1x128xi32, #tpu.memory_space<vmem>> -> memref<128xi32, #tpu.memory_space<vmem>>
        %dma_start3A_136 = arith.constant 0 : i32
        %dma_start3A_137 = arith.constant 0 : i32
        %dma_start3A_138 = tpu.memref_slice %arg7[%dma_start3A_136, %dma_start3A_137] : memref<50176x32xf32, #tpu.memory_space<vmem_shared>> -> memref<50176x32xf32, #tpu.memory_space<vmem_shared>>
        tpu.enqueue_indirect_dma source(%dma_start3A_132 : memref<128x32xf32, #tpu.memory_space<vmem>>) target(%dma_start3A_138 : memref<50176x32xf32, #tpu.memory_space<vmem_shared>>) offsets(%dma_start3A_135 : memref<128xi32, #tpu.memory_space<vmem>>) semaphore(%run_scoped3A_129 : memref<!tpu.dma_semaphore, #tpu.memory_space<semaphore_mem>>) {add = true}
        %dma_wait3A_139 = arith.constant 384 : i32
        %dma_wait3A_140 = arith.constant 0 : i32
        %dma_wait3A_141 = tpu.memref_slice %arg12[%dma_wait3A_139, %dma_wait3A_140] : memref<512x32xf32, #tpu.memory_space<vmem>> -> memref<128x32xf32, #tpu.memory_space<vmem>>
        %dma_wait3A_142 = arith.constant 0 : i32
        %dma_wait3A_143 = tpu.memref_slice %arg11[%run_scoped3A_128, %dma_wait3A_142] : memref<4x128xi32, #tpu.memory_space<vmem>> -> memref<1x128xi32, #tpu.memory_space<vmem>>
        %dma_wait3A_144 = tpu.memref_squeeze %dma_wait3A_143 : memref<1x128xi32, #tpu.memory_space<vmem>> -> memref<128xi32, #tpu.memory_space<vmem>>
        %dma_wait3A_145 = arith.constant 0 : i32
        %dma_wait3A_146 = arith.constant 0 : i32
        %dma_wait3A_147 = tpu.memref_slice %arg7[%dma_wait3A_145, %dma_wait3A_146] : memref<50176x32xf32, #tpu.memory_space<vmem_shared>> -> memref<50176x32xf32, #tpu.memory_space<vmem_shared>>
        tpu.wait_indirect_dma semaphore(%run_scoped3A_129 : memref<!tpu.dma_semaphore, #tpu.memory_space<semaphore_mem>>) src(%dma_wait3A_141 : memref<128x32xf32, #tpu.memory_space<vmem>>) dst(%dma_wait3A_147 : memref<50176x32xf32, #tpu.memory_space<vmem_shared>>)
        tpu.yield
      }) : () -> ()
    }
    %scan3A_18 = arith.constant 200 : i32
    %barrier3A_19 = arith.constant 0 : index
    tpu.barrier barrier_id(%barrier3A_19)
    %mul3A_20 = arith.constant 3128 : i32
    %mul3A_21 = arith.muli %arg1, %mul3A_20 : i32
    %lt3A = arith.constant 15 : i32
    %lt3A_22 = arith.cmpi slt, %arg1, %lt3A : i32
    %convert_element_type3A = arith.extui %lt3A_22 : i1 to i32
    %cond3A = arith.constant 0 : i32
    %cond3A_23 = arith.cmpi ne, %convert_element_type3A, %cond3A : i32
    scf.if %cond3A_23 {
      %add3A_28 = arith.addi %mul3A_0, %mul3A_21 : i32
      "tpu.region"() ({
        %run_scoped3A = tpu.sem_alloc : memref<!tpu.dma_semaphore, #tpu.memory_space<semaphore_mem>>
        %dma_start3A = arith.constant 0 : i32
        %dma_start3A_29 = tpu.memref_slice %arg6[%add3A_28, %dma_start3A] : memref<100000x32xf32, #tpu.memory_space<hbm>> -> memref<3128x32xf32, #tpu.memory_space<hbm>>
        %dma_start3A_30 = arith.constant 0 : i32
        %dma_start3A_31 = tpu.memref_slice %arg7[%mul3A_21, %dma_start3A_30] : memref<50176x32xf32, #tpu.memory_space<vmem_shared>> -> memref<3128x32xf32, #tpu.memory_space<vmem_shared>>
        tpu.enqueue_dma source(%dma_start3A_31 : memref<3128x32xf32, #tpu.memory_space<vmem_shared>>) target(%dma_start3A_29 : memref<3128x32xf32, #tpu.memory_space<hbm>>) target_semaphore(%run_scoped3A : memref<!tpu.dma_semaphore, #tpu.memory_space<semaphore_mem>>)
        %dma_wait3A = arith.constant 0 : i32
        %dma_wait3A_32 = tpu.memref_slice %arg6[%add3A_28, %dma_wait3A] : memref<100000x32xf32, #tpu.memory_space<hbm>> -> memref<3128x32xf32, #tpu.memory_space<hbm>>
        %dma_wait3A_33 = arith.constant 0 : i32
        %dma_wait3A_34 = tpu.memref_slice %arg7[%mul3A_21, %dma_wait3A_33] : memref<50176x32xf32, #tpu.memory_space<vmem_shared>> -> memref<3128x32xf32, #tpu.memory_space<vmem_shared>>
        tpu.wait_dma2 semaphore(%run_scoped3A : memref<!tpu.dma_semaphore, #tpu.memory_space<semaphore_mem>>) src(%dma_wait3A_34 : memref<3128x32xf32, #tpu.memory_space<vmem_shared>>) dst(%dma_wait3A_32 : memref<3128x32xf32, #tpu.memory_space<hbm>>)
        tpu.yield
      }) : () -> ()
    } else {
    }
    %eq3A = arith.constant 15 : i32
    %eq3A_24 = arith.cmpi eq, %arg1, %eq3A : i32
    %convert_element_type3A_25 = arith.extui %eq3A_24 : i1 to i32
    %cond3A_26 = arith.constant 0 : i32
    %cond3A_27 = arith.cmpi ne, %convert_element_type3A_25, %cond3A_26 : i32
    scf.if %cond3A_27 {
      %add3A_28 = arith.constant 46920 : i32
      %add3A_29 = arith.addi %mul3A_0, %add3A_28 : i32
      "tpu.region"() ({
        %run_scoped3A = tpu.sem_alloc : memref<!tpu.dma_semaphore, #tpu.memory_space<semaphore_mem>>
        %dma_start3A = arith.constant 0 : i32
        %dma_start3A_30 = tpu.memref_slice %arg6[%add3A_29, %dma_start3A] : memref<100000x32xf32, #tpu.memory_space<hbm>> -> memref<3080x32xf32, #tpu.memory_space<hbm>>
        %dma_start3A_31 = arith.constant 46920 : i32
        %dma_start3A_32 = arith.constant 0 : i32
        %dma_start3A_33 = tpu.memref_slice %arg7[%dma_start3A_31, %dma_start3A_32] : memref<50176x32xf32, #tpu.memory_space<vmem_shared>> -> memref<3080x32xf32, #tpu.memory_space<vmem_shared>>
        tpu.enqueue_dma source(%dma_start3A_33 : memref<3080x32xf32, #tpu.memory_space<vmem_shared>>) target(%dma_start3A_30 : memref<3080x32xf32, #tpu.memory_space<hbm>>) target_semaphore(%run_scoped3A : memref<!tpu.dma_semaphore, #tpu.memory_space<semaphore_mem>>)
        %dma_wait3A = arith.constant 0 : i32
        %dma_wait3A_34 = tpu.memref_slice %arg6[%add3A_29, %dma_wait3A] : memref<100000x32xf32, #tpu.memory_space<hbm>> -> memref<3080x32xf32, #tpu.memory_space<hbm>>
        %dma_wait3A_35 = arith.constant 46920 : i32
        %dma_wait3A_36 = arith.constant 0 : i32
        %dma_wait3A_37 = tpu.memref_slice %arg7[%dma_wait3A_35, %dma_wait3A_36] : memref<50176x32xf32, #tpu.memory_space<vmem_shared>> -> memref<3080x32xf32, #tpu.memory_space<vmem_shared>>
        tpu.wait_dma2 semaphore(%run_scoped3A : memref<!tpu.dma_semaphore, #tpu.memory_space<semaphore_mem>>) src(%dma_wait3A_37 : memref<3080x32xf32, #tpu.memory_space<vmem_shared>>) dst(%dma_wait3A_34 : memref<3080x32xf32, #tpu.memory_space<hbm>>)
        tpu.yield
      }) : () -> ()
    } else {
    }
    return
  }
}

#map = affine_map<(d0, d1) -> (0, 0)>
#map1 = affine_map<(d0, d1) -> (0)>
module attributes {stable_mosaic.version = 14 : i64} {
  func.func @_seg_body(%arg0: i32, %arg1: i32, %arg2: memref<100000x32xf32, #tpu.memory_space<hbm>>, %arg3: memref<12800x128xi32, #tpu.memory_space<hbm>>, %arg4: memref<12800x128xi32, #tpu.memory_space<hbm>>, %arg5: memref<1638400xf32, #tpu.memory_space<hbm>>, %arg6: memref<100000x32xf32, #tpu.memory_space<hbm>>, %arg7: memref<50176x32xf32, #tpu.memory_space<vmem_shared>>, %arg8: memref<4x128xi32, #tpu.memory_space<vmem>>, %arg9: memref<4x128xi32, #tpu.memory_space<vmem>>, %arg10: memref<528xf32, #tpu.memory_space<vmem>>, %arg11: memref<4x128xi32, #tpu.memory_space<vmem>>, %arg12: memref<512x32xf32, #tpu.memory_space<vmem>>, %arg13: memref<64x32xf32, #tpu.memory_space<vmem>>, %arg14: memref<!tpu.dma_semaphore, #tpu.memory_space<semaphore_mem>>) attributes {dimension_semantics = [#tpu.dimension_semantics<core_parallel>, #tpu.dimension_semantics<subcore_parallel>], iteration_bounds = array<i64: 2, 16>, scalar_prefetch = 0 : i64, scratch_operands = 8 : i64, tpu.core_type = #tpu.core_type<sc_vector_subcore>, window_params = [{transform_indices = #map}, {transform_indices = #map}, {transform_indices = #map}, {transform_indices = #map1}, {transform_indices = #map}]} {
    %mul3A = arith.constant 50000 : i32
    %mul3A_0 = arith.muli %arg0, %mul3A : i32
    %mul3A_1 = arith.constant 8 : i32
    %mul3A_2 = arith.muli %arg1, %mul3A_1 : i32
    %add3A = arith.constant 50000 : i32
    %add3A_3 = arith.addi %add3A, %mul3A_2 : i32
    %broadcast_in_dim3A = arith.constant 0.000000e+00 : f32
    %broadcast_in_dim3A_4 = vector.broadcast %broadcast_in_dim3A : f32 to vector<16xf32>
    %scan3A = arith.constant 0 : i32
    %scan3A_5 = arith.constant 64 : i32
    %scan3A_6 = arith.addi %scan3A, %scan3A_5 : i32
    %scan3A_7 = arith.constant 1 : i32
    scf.for %scan3A_28 = %scan3A to %scan3A_6 step %scan3A_7  : i32 {
      %mul3A_29 = arith.constant 1 : i32
      %mul3A_30 = arith.muli %scan3A_28, %mul3A_29 : i32
      %add3A_31 = arith.constant 0 : i32
      %add3A_32 = arith.addi %add3A_31, %mul3A_30 : i32
      %swap3A = arith.index_cast %add3A_32 : i32 to index
      %swap3A_33 = arith.constant 0 : index
      %swap3A_34 = tpu.vector_load %arg13[%swap3A, %swap3A_33] {strides = array<i32>} : memref<64x32xf32, #tpu.memory_space<vmem>>, vector<1x16xf32>,
      %swap3A_35 = vector.shape_cast %swap3A_34 : vector<1x16xf32> to vector<16xf32>
      %swap3A_36 = vector.shape_cast %broadcast_in_dim3A_4 : vector<16xf32> to vector<1x16xf32>
      tpu.vector_store %arg13[%swap3A, %swap3A_33], %swap3A_36 {strides = array<i32>} : memref<64x32xf32, #tpu.memory_space<vmem>>, vector<1x16xf32>,
      %swap3A_37 = arith.index_cast %add3A_32 : i32 to index
      %swap3A_38 = arith.constant 16 : index
      %swap3A_39 = tpu.vector_load %arg13[%swap3A_37, %swap3A_38] {strides = array<i32>} : memref<64x32xf32, #tpu.memory_space<vmem>>, vector<1x16xf32>,
      %swap3A_40 = vector.shape_cast %swap3A_39 : vector<1x16xf32> to vector<16xf32>
      %swap3A_41 = vector.shape_cast %broadcast_in_dim3A_4 : vector<16xf32> to vector<1x16xf32>
      tpu.vector_store %arg13[%swap3A_37, %swap3A_38], %swap3A_41 {strides = array<i32>} : memref<64x32xf32, #tpu.memory_space<vmem>>, vector<1x16xf32>,
    }
    %scan3A_8 = arith.constant 64 : i32
    %scan3A_9 = arith.constant 0 : i32
    %scan3A_10 = arith.constant 49 : i32
    %scan3A_11 = arith.addi %scan3A_9, %scan3A_10 : i32
    %scan3A_12 = arith.constant 1 : i32
    scf.for %scan3A_28 = %scan3A_9 to %scan3A_11 step %scan3A_12  : i32 {
      %mul3A_29 = arith.constant 1 : i32
      %mul3A_30 = arith.muli %scan3A_28, %mul3A_29 : i32
      %add3A_31 = arith.constant 0 : i32
      %add3A_32 = arith.addi %add3A_31, %mul3A_30 : i32
      %mul3A_33 = arith.constant 3136 : i32
      %mul3A_34 = arith.muli %arg1, %mul3A_33 : i32
      %mul3A_35 = arith.constant 64 : i32
      %mul3A_36 = arith.muli %add3A_32, %mul3A_35 : i32
      %add3A_37 = arith.addi %mul3A_34, %mul3A_36 : i32
      "tpu.region"() ({
        %run_scoped3A = tpu.sem_alloc : memref<!tpu.dma_semaphore, #tpu.memory_space<semaphore_mem>>
        %dma_start3A = arith.constant 0 : i32
        %dma_start3A_38 = tpu.memref_slice %arg7[%add3A_37, %dma_start3A] : memref<50176x32xf32, #tpu.memory_space<vmem_shared>> -> memref<64x32xf32, #tpu.memory_space<vmem_shared>>
        %dma_start3A_39 = arith.constant 0 : i32
        %dma_start3A_40 = tpu.memref_slice %arg7[%add3A_37, %dma_start3A_39] : memref<50176x32xf32, #tpu.memory_space<vmem_shared>> -> memref<64x32xf32, #tpu.memory_space<vmem_shared>>
        tpu.enqueue_dma source(%arg13 : memref<64x32xf32, #tpu.memory_space<vmem>>) target(%dma_start3A_40 : memref<64x32xf32, #tpu.memory_space<vmem_shared>>) target_semaphore(%run_scoped3A : memref<!tpu.dma_semaphore, #tpu.memory_space<semaphore_mem>>)
        %dma_wait3A = arith.constant 0 : i32
        %dma_wait3A_41 = tpu.memref_slice %arg7[%add3A_37, %dma_wait3A] : memref<50176x32xf32, #tpu.memory_space<vmem_shared>> -> memref<64x32xf32, #tpu.memory_space<vmem_shared>>
        %dma_wait3A_42 = arith.constant 0 : i32
        %dma_wait3A_43 = tpu.memref_slice %arg7[%add3A_37, %dma_wait3A_42] : memref<50176x32xf32, #tpu.memory_space<vmem_shared>> -> memref<64x32xf32, #tpu.memory_space<vmem_shared>>
        tpu.wait_dma2 semaphore(%run_scoped3A : memref<!tpu.dma_semaphore, #tpu.memory_space<semaphore_mem>>) src(%arg13 : memref<64x32xf32, #tpu.memory_space<vmem>>) dst(%dma_wait3A_43 : memref<64x32xf32, #tpu.memory_space<vmem_shared>>)
        tpu.yield
      }) : () -> ()
    }
    %scan3A_13 = arith.constant 49 : i32
    %barrier3A = arith.constant 0 : index
    tpu.barrier barrier_id(%barrier3A)
    %scan3A_14 = arith.constant 0 : i32
    %scan3A_15 = arith.constant 200 : i32
    %scan3A_16 = arith.addi %scan3A_14, %scan3A_15 : i32
    %scan3A_17 = arith.constant 1 : i32
    scf.for %scan3A_28 = %scan3A_14 to %scan3A_16 step %scan3A_17  : i32 {
      %mul3A_29 = arith.constant 1 : i32
      %mul3A_30 = arith.muli %scan3A_28, %mul3A_29 : i32
      %add3A_31 = arith.constant 0 : i32
      %add3A_32 = arith.addi %add3A_31, %mul3A_30 : i32
      %mul3A_33 = arith.constant 800 : i32
      %mul3A_34 = arith.muli %arg1, %mul3A_33 : i32
      %mul3A_35 = arith.constant 4 : i32
      %mul3A_36 = arith.muli %add3A_32, %mul3A_35 : i32
      %add3A_37 = arith.addi %mul3A_34, %mul3A_36 : i32
      %mul3A_38 = arith.constant 200 : i32
      %mul3A_39 = arith.muli %arg1, %mul3A_38 : i32
      %add3A_40 = arith.addi %mul3A_39, %add3A_32 : i32
      %mul3A_41 = arith.constant 512 : i32
      %mul3A_42 = arith.muli %add3A_40, %mul3A_41 : i32
      "tpu.region"() ({
        %run_scoped3A_129 = tpu.sem_alloc : memref<!tpu.dma_semaphore, #tpu.memory_space<semaphore_mem>>
        %dma_start3A_130 = arith.constant 0 : i32
        %dma_start3A_131 = tpu.memref_slice %arg3[%add3A_37, %dma_start3A_130] : memref<12800x128xi32, #tpu.memory_space<hbm>> -> memref<4x128xi32, #tpu.memory_space<hbm>>
        %dma_start3A_132 = arith.constant 0 : i32
        %dma_start3A_133 = tpu.memref_slice %arg3[%add3A_37, %dma_start3A_132] : memref<12800x128xi32, #tpu.memory_space<hbm>> -> memref<4x128xi32, #tpu.memory_space<hbm>>
        tpu.enqueue_dma source(%dma_start3A_133 : memref<4x128xi32, #tpu.memory_space<hbm>>) target(%arg8 : memref<4x128xi32, #tpu.memory_space<vmem>>) target_semaphore(%run_scoped3A_129 : memref<!tpu.dma_semaphore, #tpu.memory_space<semaphore_mem>>)
        %dma_wait3A_134 = arith.constant 0 : i32
        %dma_wait3A_135 = tpu.memref_slice %arg3[%add3A_37, %dma_wait3A_134] : memref<12800x128xi32, #tpu.memory_space<hbm>> -> memref<4x128xi32, #tpu.memory_space<hbm>>
        %dma_wait3A_136 = arith.constant 0 : i32
        %dma_wait3A_137 = tpu.memref_slice %arg3[%add3A_37, %dma_wait3A_136] : memref<12800x128xi32, #tpu.memory_space<hbm>> -> memref<4x128xi32, #tpu.memory_space<hbm>>
        tpu.wait_dma2 semaphore(%run_scoped3A_129 : memref<!tpu.dma_semaphore, #tpu.memory_space<semaphore_mem>>) src(%dma_wait3A_137 : memref<4x128xi32, #tpu.memory_space<hbm>>) dst(%arg8 : memref<4x128xi32, #tpu.memory_space<vmem>>)
        tpu.yield
      }) : () -> ()
      "tpu.region"() ({
        %run_scoped3A_129 = tpu.sem_alloc : memref<!tpu.dma_semaphore, #tpu.memory_space<semaphore_mem>>
        %dma_start3A_130 = arith.constant 0 : i32
        %dma_start3A_131 = tpu.memref_slice %arg4[%add3A_37, %dma_start3A_130] : memref<12800x128xi32, #tpu.memory_space<hbm>> -> memref<4x128xi32, #tpu.memory_space<hbm>>
        %dma_start3A_132 = arith.constant 0 : i32
        %dma_start3A_133 = tpu.memref_slice %arg4[%add3A_37, %dma_start3A_132] : memref<12800x128xi32, #tpu.memory_space<hbm>> -> memref<4x128xi32, #tpu.memory_space<hbm>>
        tpu.enqueue_dma source(%dma_start3A_133 : memref<4x128xi32, #tpu.memory_space<hbm>>) target(%arg9 : memref<4x128xi32, #tpu.memory_space<vmem>>) target_semaphore(%run_scoped3A_129 : memref<!tpu.dma_semaphore, #tpu.memory_space<semaphore_mem>>)
        %dma_wait3A_134 = arith.constant 0 : i32
        %dma_wait3A_135 = tpu.memref_slice %arg4[%add3A_37, %dma_wait3A_134] : memref<12800x128xi32, #tpu.memory_space<hbm>> -> memref<4x128xi32, #tpu.memory_space<hbm>>
        %dma_wait3A_136 = arith.constant 0 : i32
        %dma_wait3A_137 = tpu.memref_slice %arg4[%add3A_37, %dma_wait3A_136] : memref<12800x128xi32, #tpu.memory_space<hbm>> -> memref<4x128xi32, #tpu.memory_space<hbm>>
        tpu.wait_dma2 semaphore(%run_scoped3A_129 : memref<!tpu.dma_semaphore, #tpu.memory_space<semaphore_mem>>) src(%dma_wait3A_137 : memref<4x128xi32, #tpu.memory_space<hbm>>) dst(%arg9 : memref<4x128xi32, #tpu.memory_space<vmem>>)
        tpu.yield
      }) : () -> ()
      "tpu.region"() ({
        %run_scoped3A_129 = tpu.sem_alloc : memref<!tpu.dma_semaphore, #tpu.memory_space<semaphore_mem>>
        %dma_start3A_130 = arith.constant 0 : i32
        %dma_start3A_131 = tpu.memref_slice %arg10[%dma_start3A_130] : memref<528xf32, #tpu.memory_space<vmem>> -> memref<512xf32, #tpu.memory_space<vmem>>
        %dma_start3A_132 = tpu.memref_slice %arg5[%mul3A_42] : memref<1638400xf32, #tpu.memory_space<hbm>> -> memref<512xf32, #tpu.memory_space<hbm>>
        %dma_start3A_133 = arith.constant 0 : i32
        %dma_start3A_134 = tpu.memref_slice %arg10[%dma_start3A_133] : memref<528xf32, #tpu.memory_space<vmem>> -> memref<512xf32, #tpu.memory_space<vmem>>
        %dma_start3A_135 = tpu.memref_slice %arg5[%mul3A_42] : memref<1638400xf32, #tpu.memory_space<hbm>> -> memref<512xf32, #tpu.memory_space<hbm>>
        tpu.enqueue_dma source(%dma_start3A_135 : memref<512xf32, #tpu.memory_space<hbm>>) target(%dma_start3A_134 : memref<512xf32, #tpu.memory_space<vmem>>) target_semaphore(%run_scoped3A_129 : memref<!tpu.dma_semaphore, #tpu.memory_space<semaphore_mem>>)
        %dma_wait3A_136 = arith.constant 0 : i32
        %dma_wait3A_137 = tpu.memref_slice %arg10[%dma_wait3A_136] : memref<528xf32, #tpu.memory_space<vmem>> -> memref<512xf32, #tpu.memory_space<vmem>>
        %dma_wait3A_138 = tpu.memref_slice %arg5[%mul3A_42] : memref<1638400xf32, #tpu.memory_space<hbm>> -> memref<512xf32, #tpu.memory_space<hbm>>
        %dma_wait3A_139 = arith.constant 0 : i32
        %dma_wait3A_140 = tpu.memref_slice %arg10[%dma_wait3A_139] : memref<528xf32, #tpu.memory_space<vmem>> -> memref<512xf32, #tpu.memory_space<vmem>>
        %dma_wait3A_141 = tpu.memref_slice %arg5[%mul3A_42] : memref<1638400xf32, #tpu.memory_space<hbm>> -> memref<512xf32, #tpu.memory_space<hbm>>
        tpu.wait_dma2 semaphore(%run_scoped3A_129 : memref<!tpu.dma_semaphore, #tpu.memory_space<semaphore_mem>>) src(%dma_wait3A_141 : memref<512xf32, #tpu.memory_space<hbm>>) dst(%dma_wait3A_140 : memref<512xf32, #tpu.memory_space<vmem>>)
        tpu.yield
      }) : () -> ()
      %dma_start3A = arith.constant 0 : i32
      %dma_start3A_43 = arith.constant 0 : i32
      %dma_start3A_44 = arith.constant 0 : i32
      %dma_start3A_45 = tpu.memref_slice %arg12[%dma_start3A_43, %dma_start3A_44] : memref<512x32xf32, #tpu.memory_space<vmem>> -> memref<128x32xf32, #tpu.memory_space<vmem>>
      %dma_start3A_46 = arith.constant 0 : i32
      %dma_start3A_47 = tpu.memref_slice %arg8[%dma_start3A, %dma_start3A_46] : memref<4x128xi32, #tpu.memory_space<vmem>> -> memref<1x128xi32, #tpu.memory_space<vmem>>
      %dma_start3A_48 = tpu.memref_squeeze %dma_start3A_47 : memref<1x128xi32, #tpu.memory_space<vmem>> -> memref<128xi32, #tpu.memory_space<vmem>>
      %dma_start3A_49 = arith.constant 0 : i32
      %dma_start3A_50 = arith.constant 0 : i32
      %dma_start3A_51 = tpu.memref_slice %arg2[%dma_start3A_49, %dma_start3A_50] : memref<100000x32xf32, #tpu.memory_space<hbm>> -> memref<100000x32xf32, #tpu.memory_space<hbm>>
      tpu.enqueue_indirect_dma source(%dma_start3A_51 : memref<100000x32xf32, #tpu.memory_space<hbm>>) target(%dma_start3A_45 : memref<128x32xf32, #tpu.memory_space<vmem>>) offsets(%dma_start3A_48 : memref<128xi32, #tpu.memory_space<vmem>>) semaphore(%arg14 : memref<!tpu.dma_semaphore, #tpu.memory_space<semaphore_mem>>)
      %dma_start3A_52 = arith.constant 1 : i32
      %dma_start3A_53 = arith.constant 128 : i32
      %dma_start3A_54 = arith.constant 0 : i32
      %dma_start3A_55 = tpu.memref_slice %arg12[%dma_start3A_53, %dma_start3A_54] : memref<512x32xf32, #tpu.memory_space<vmem>> -> memref<128x32xf32, #tpu.memory_space<vmem>>
      %dma_start3A_56 = arith.constant 0 : i32
      %dma_start3A_57 = tpu.memref_slice %arg8[%dma_start3A_52, %dma_start3A_56] : memref<4x128xi32, #tpu.memory_space<vmem>> -> memref<1x128xi32, #tpu.memory_space<vmem>>
      %dma_start3A_58 = tpu.memref_squeeze %dma_start3A_57 : memref<1x128xi32, #tpu.memory_space<vmem>> -> memref<128xi32, #tpu.memory_space<vmem>>
      %dma_start3A_59 = arith.constant 0 : i32
      %dma_start3A_60 = arith.constant 0 : i32
      %dma_start3A_61 = tpu.memref_slice %arg2[%dma_start3A_59, %dma_start3A_60] : memref<100000x32xf32, #tpu.memory_space<hbm>> -> memref<100000x32xf32, #tpu.memory_space<hbm>>
      tpu.enqueue_indirect_dma source(%dma_start3A_61 : memref<100000x32xf32, #tpu.memory_space<hbm>>) target(%dma_start3A_55 : memref<128x32xf32, #tpu.memory_space<vmem>>) offsets(%dma_start3A_58 : memref<128xi32, #tpu.memory_space<vmem>>) semaphore(%arg14 : memref<!tpu.dma_semaphore, #tpu.memory_space<semaphore_mem>>)
      %dma_start3A_62 = arith.constant 2 : i32
      %dma_start3A_63 = arith.constant 256 : i32
      %dma_start3A_64 = arith.constant 0 : i32
      %dma_start3A_65 = tpu.memref_slice %arg12[%dma_start3A_63, %dma_start3A_64] : memref<512x32xf32, #tpu.memory_space<vmem>> -> memref<128x32xf32, #tpu.memory_space<vmem>>
      %dma_start3A_66 = arith.constant 0 : i32
      %dma_start3A_67 = tpu.memref_slice %arg8[%dma_start3A_62, %dma_start3A_66] : memref<4x128xi32, #tpu.memory_space<vmem>> -> memref<1x128xi32, #tpu.memory_space<vmem>>
      %dma_start3A_68 = tpu.memref_squeeze %dma_start3A_67 : memref<1x128xi32, #tpu.memory_space<vmem>> -> memref<128xi32, #tpu.memory_space<vmem>>
      %dma_start3A_69 = arith.constant 0 : i32
      %dma_start3A_70 = arith.constant 0 : i32
      %dma_start3A_71 = tpu.memref_slice %arg2[%dma_start3A_69, %dma_start3A_70] : memref<100000x32xf32, #tpu.memory_space<hbm>> -> memref<100000x32xf32, #tpu.memory_space<hbm>>
      tpu.enqueue_indirect_dma source(%dma_start3A_71 : memref<100000x32xf32, #tpu.memory_space<hbm>>) target(%dma_start3A_65 : memref<128x32xf32, #tpu.memory_space<vmem>>) offsets(%dma_start3A_68 : memref<128xi32, #tpu.memory_space<vmem>>) semaphore(%arg14 : memref<!tpu.dma_semaphore, #tpu.memory_space<semaphore_mem>>)
      %dma_start3A_72 = arith.constant 3 : i32
      %dma_start3A_73 = arith.constant 384 : i32
      %dma_start3A_74 = arith.constant 0 : i32
      %dma_start3A_75 = tpu.memref_slice %arg12[%dma_start3A_73, %dma_start3A_74] : memref<512x32xf32, #tpu.memory_space<vmem>> -> memref<128x32xf32, #tpu.memory_space<vmem>>
      %dma_start3A_76 = arith.constant 0 : i32
      %dma_start3A_77 = tpu.memref_slice %arg8[%dma_start3A_72, %dma_start3A_76] : memref<4x128xi32, #tpu.memory_space<vmem>> -> memref<1x128xi32, #tpu.memory_space<vmem>>
      %dma_start3A_78 = tpu.memref_squeeze %dma_start3A_77 : memref<1x128xi32, #tpu.memory_space<vmem>> -> memref<128xi32, #tpu.memory_space<vmem>>
      %dma_start3A_79 = arith.constant 0 : i32
      %dma_start3A_80 = arith.constant 0 : i32
      %dma_start3A_81 = tpu.memref_slice %arg2[%dma_start3A_79, %dma_start3A_80] : memref<100000x32xf32, #tpu.memory_space<hbm>> -> memref<100000x32xf32, #tpu.memory_space<hbm>>
      tpu.enqueue_indirect_dma source(%dma_start3A_81 : memref<100000x32xf32, #tpu.memory_space<hbm>>) target(%dma_start3A_75 : memref<128x32xf32, #tpu.memory_space<vmem>>) offsets(%dma_start3A_78 : memref<128xi32, #tpu.memory_space<vmem>>) semaphore(%arg14 : memref<!tpu.dma_semaphore, #tpu.memory_space<semaphore_mem>>)
      %dma_wait3A = arith.constant 0 : i32
      %dma_wait3A_82 = arith.constant 0 : i32
      %dma_wait3A_83 = arith.constant 0 : i32
      %dma_wait3A_84 = tpu.memref_slice %arg12[%dma_wait3A_82, %dma_wait3A_83] : memref<512x32xf32, #tpu.memory_space<vmem>> -> memref<128x32xf32, #tpu.memory_space<vmem>>
      %dma_wait3A_85 = arith.constant 0 : i32
      %dma_wait3A_86 = tpu.memref_slice %arg8[%dma_wait3A, %dma_wait3A_85] : memref<4x128xi32, #tpu.memory_space<vmem>> -> memref<1x128xi32, #tpu.memory_space<vmem>>
      %dma_wait3A_87 = tpu.memref_squeeze %dma_wait3A_86 : memref<1x128xi32, #tpu.memory_space<vmem>> -> memref<128xi32, #tpu.memory_space<vmem>>
      %dma_wait3A_88 = arith.constant 0 : i32
      %dma_wait3A_89 = arith.constant 0 : i32
      %dma_wait3A_90 = tpu.memref_slice %arg2[%dma_wait3A_88, %dma_wait3A_89] : memref<100000x32xf32, #tpu.memory_space<hbm>> -> memref<100000x32xf32, #tpu.memory_space<hbm>>
      tpu.wait_indirect_dma semaphore(%arg14 : memref<!tpu.dma_semaphore, #tpu.memory_space<semaphore_mem>>) src(%dma_wait3A_90 : memref<100000x32xf32, #tpu.memory_space<hbm>>) dst(%dma_wait3A_84 : memref<128x32xf32, #tpu.memory_space<vmem>>)
      %dma_wait3A_91 = arith.constant 1 : i32
      %dma_wait3A_92 = arith.constant 128 : i32
      %dma_wait3A_93 = arith.constant 0 : i32
      %dma_wait3A_94 = tpu.memref_slice %arg12[%dma_wait3A_92, %dma_wait3A_93] : memref<512x32xf32, #tpu.memory_space<vmem>> -> memref<128x32xf32, #tpu.memory_space<vmem>>
      %dma_wait3A_95 = arith.constant 0 : i32
      %dma_wait3A_96 = tpu.memref_slice %arg8[%dma_wait3A_91, %dma_wait3A_95] : memref<4x128xi32, #tpu.memory_space<vmem>> -> memref<1x128xi32, #tpu.memory_space<vmem>>
      %dma_wait3A_97 = tpu.memref_squeeze %dma_wait3A_96 : memref<1x128xi32, #tpu.memory_space<vmem>> -> memref<128xi32, #tpu.memory_space<vmem>>
      %dma_wait3A_98 = arith.constant 0 : i32
      %dma_wait3A_99 = arith.constant 0 : i32
      %dma_wait3A_100 = tpu.memref_slice %arg2[%dma_wait3A_98, %dma_wait3A_99] : memref<100000x32xf32, #tpu.memory_space<hbm>> -> memref<100000x32xf32, #tpu.memory_space<hbm>>
      tpu.wait_indirect_dma semaphore(%arg14 : memref<!tpu.dma_semaphore, #tpu.memory_space<semaphore_mem>>) src(%dma_wait3A_100 : memref<100000x32xf32, #tpu.memory_space<hbm>>) dst(%dma_wait3A_94 : memref<128x32xf32, #tpu.memory_space<vmem>>)
      %dma_wait3A_101 = arith.constant 2 : i32
      %dma_wait3A_102 = arith.constant 256 : i32
      %dma_wait3A_103 = arith.constant 0 : i32
      %dma_wait3A_104 = tpu.memref_slice %arg12[%dma_wait3A_102, %dma_wait3A_103] : memref<512x32xf32, #tpu.memory_space<vmem>> -> memref<128x32xf32, #tpu.memory_space<vmem>>
      %dma_wait3A_105 = arith.constant 0 : i32
      %dma_wait3A_106 = tpu.memref_slice %arg8[%dma_wait3A_101, %dma_wait3A_105] : memref<4x128xi32, #tpu.memory_space<vmem>> -> memref<1x128xi32, #tpu.memory_space<vmem>>
      %dma_wait3A_107 = tpu.memref_squeeze %dma_wait3A_106 : memref<1x128xi32, #tpu.memory_space<vmem>> -> memref<128xi32, #tpu.memory_space<vmem>>
      %dma_wait3A_108 = arith.constant 0 : i32
      %dma_wait3A_109 = arith.constant 0 : i32
      %dma_wait3A_110 = tpu.memref_slice %arg2[%dma_wait3A_108, %dma_wait3A_109] : memref<100000x32xf32, #tpu.memory_space<hbm>> -> memref<100000x32xf32, #tpu.memory_space<hbm>>
      tpu.wait_indirect_dma semaphore(%arg14 : memref<!tpu.dma_semaphore, #tpu.memory_space<semaphore_mem>>) src(%dma_wait3A_110 : memref<100000x32xf32, #tpu.memory_space<hbm>>) dst(%dma_wait3A_104 : memref<128x32xf32, #tpu.memory_space<vmem>>)
      %dma_wait3A_111 = arith.constant 3 : i32
      %dma_wait3A_112 = arith.constant 384 : i32
      %dma_wait3A_113 = arith.constant 0 : i32
      %dma_wait3A_114 = tpu.memref_slice %arg12[%dma_wait3A_112, %dma_wait3A_113] : memref<512x32xf32, #tpu.memory_space<vmem>> -> memref<128x32xf32, #tpu.memory_space<vmem>>
      %dma_wait3A_115 = arith.constant 0 : i32
      %dma_wait3A_116 = tpu.memref_slice %arg8[%dma_wait3A_111, %dma_wait3A_115] : memref<4x128xi32, #tpu.memory_space<vmem>> -> memref<1x128xi32, #tpu.memory_space<vmem>>
      %dma_wait3A_117 = tpu.memref_squeeze %dma_wait3A_116 : memref<1x128xi32, #tpu.memory_space<vmem>> -> memref<128xi32, #tpu.memory_space<vmem>>
      %dma_wait3A_118 = arith.constant 0 : i32
      %dma_wait3A_119 = arith.constant 0 : i32
      %dma_wait3A_120 = tpu.memref_slice %arg2[%dma_wait3A_118, %dma_wait3A_119] : memref<100000x32xf32, #tpu.memory_space<hbm>> -> memref<100000x32xf32, #tpu.memory_space<hbm>>
      tpu.wait_indirect_dma semaphore(%arg14 : memref<!tpu.dma_semaphore, #tpu.memory_space<semaphore_mem>>) src(%dma_wait3A_120 : memref<100000x32xf32, #tpu.memory_space<hbm>>) dst(%dma_wait3A_114 : memref<128x32xf32, #tpu.memory_space<vmem>>)
      %parallel_loop3A = arith.constant 0 : i32
      %parallel_loop3A_121 = arith.constant 32 : i32
      %parallel_loop3A_122 = arith.constant 1 : i32
      scf.for %parallel_loop3A_129 = %parallel_loop3A to %parallel_loop3A_121 step %parallel_loop3A_122  : i32 {
        %parallel_loop3A_130 = arith.constant 8 : i32
        %parallel_loop3A_131 = arith.divsi %parallel_loop3A_129, %parallel_loop3A_130 : i32
        %parallel_loop3A_132 = arith.constant 0 : i32
        %parallel_loop3A_133 = arith.cmpi sgt, %parallel_loop3A_129, %parallel_loop3A_132 : i32
        %parallel_loop3A_134 = arith.extui %parallel_loop3A_133 : i1 to i32
        %parallel_loop3A_135 = arith.constant 0 : i32
        %parallel_loop3A_136 = arith.cmpi slt, %parallel_loop3A_129, %parallel_loop3A_135 : i32
        %parallel_loop3A_137 = arith.extui %parallel_loop3A_136 : i1 to i32
        %parallel_loop3A_138 = arith.subi %parallel_loop3A_134, %parallel_loop3A_137 : i32
        %parallel_loop3A_139 = arith.constant 0 : i32
        %parallel_loop3A_140 = arith.cmpi sgt, %parallel_loop3A_130, %parallel_loop3A_139 : i32
        %parallel_loop3A_141 = arith.extui %parallel_loop3A_140 : i1 to i32
        %parallel_loop3A_142 = arith.constant 0 : i32
        %parallel_loop3A_143 = arith.cmpi slt, %parallel_loop3A_130, %parallel_loop3A_142 : i32
        %parallel_loop3A_144 = arith.extui %parallel_loop3A_143 : i1 to i32
        %parallel_loop3A_145 = arith.subi %parallel_loop3A_141, %parallel_loop3A_144 : i32
        %parallel_loop3A_146 = arith.cmpi ne, %parallel_loop3A_138, %parallel_loop3A_145 : i32
        %parallel_loop3A_147 = arith.remsi %parallel_loop3A_129, %parallel_loop3A_130 : i32
        %parallel_loop3A_148 = arith.constant 0 : i32
        %parallel_loop3A_149 = arith.cmpi ne, %parallel_loop3A_147, %parallel_loop3A_148 : i32
        %parallel_loop3A_150 = arith.andi %parallel_loop3A_146, %parallel_loop3A_149 : i1
        %parallel_loop3A_151 = arith.constant 1 : i32
        %parallel_loop3A_152 = arith.subi %parallel_loop3A_131, %parallel_loop3A_151 : i32
        %parallel_loop3A_153 = arith.select %parallel_loop3A_150, %parallel_loop3A_152, %parallel_loop3A_131 : i32
        %parallel_loop3A_154 = arith.constant 8 : i32
        %parallel_loop3A_155 = arith.constant 0 : i32
        %parallel_loop3A_156 = arith.cmpi eq, %parallel_loop3A_154, %parallel_loop3A_155 : i32
        %parallel_loop3A_157 = arith.constant 1 : i32
        %parallel_loop3A_158 = arith.select %parallel_loop3A_156, %parallel_loop3A_157, %parallel_loop3A_154 : i32
        %parallel_loop3A_159 = arith.remsi %parallel_loop3A_129, %parallel_loop3A_158 : i32
        %parallel_loop3A_160 = arith.constant 0 : i32
        %parallel_loop3A_161 = arith.cmpi ne, %parallel_loop3A_159, %parallel_loop3A_160 : i32
        %parallel_loop3A_162 = arith.constant 0 : i32
        %parallel_loop3A_163 = arith.cmpi slt, %parallel_loop3A_159, %parallel_loop3A_162 : i32
        %parallel_loop3A_164 = arith.constant 0 : i32
        %parallel_loop3A_165 = arith.cmpi slt, %parallel_loop3A_158, %parallel_loop3A_164 : i32
        %parallel_loop3A_166 = arith.xori %parallel_loop3A_163, %parallel_loop3A_165 : i1
        %parallel_loop3A_167 = arith.andi %parallel_loop3A_166, %parallel_loop3A_161 : i1
        %parallel_loop3A_168 = arith.addi %parallel_loop3A_159, %parallel_loop3A_158 : i32
        %parallel_loop3A_169 = arith.select %parallel_loop3A_167, %parallel_loop3A_168, %parallel_loop3A_159 : i32
        %parallel_loop3A_170 = arith.constant 16 : i32
        %parallel_loop3A_171 = arith.muli %parallel_loop3A_169, %parallel_loop3A_170 : i32
        %parallel_loop3A_172 = arith.index_cast %parallel_loop3A_153 : i32 to index
        %parallel_loop3A_173 = arith.index_cast %parallel_loop3A_171 : i32 to index
        %parallel_loop3A_174 = tpu.vector_load %arg9[%parallel_loop3A_172, %parallel_loop3A_173] {strides = array<i32>} : memref<4x128xi32, #tpu.memory_space<vmem>>, vector<1x16xi32>,
        %parallel_loop3A_175 = vector.shape_cast %parallel_loop3A_174 : vector<1x16xi32> to vector<16xi32>
        %parallel_loop3A_176 = vector.broadcast %mul3A_0 : i32 to vector<16xi32>
        %parallel_loop3A_177 = arith.subi %parallel_loop3A_175, %parallel_loop3A_176 : vector<16xi32>
        %parallel_loop3A_178 = arith.constant 0 : i32
        %parallel_loop3A_179 = vector.broadcast %parallel_loop3A_178 : i32 to vector<16xi32>
        %parallel_loop3A_180 = arith.cmpi sge, %parallel_loop3A_177, %parallel_loop3A_179 : vector<16xi32>
        %parallel_loop3A_181 = arith.constant 50000 : i32
        %parallel_loop3A_182 = vector.broadcast %parallel_loop3A_181 : i32 to vector<16xi32>
        %parallel_loop3A_183 = arith.cmpi slt, %parallel_loop3A_177, %parallel_loop3A_182 : vector<16xi32>
        %parallel_loop3A_184 = arith.andi %parallel_loop3A_180, %parallel_loop3A_183 : vector<16xi1>
        %parallel_loop3A_185 = vector.broadcast %add3A_3 : i32 to vector<16xi32>
        %parallel_loop3A_186 = arith.select %parallel_loop3A_184, %parallel_loop3A_177, %parallel_loop3A_185 : vector<16xi1>, vector<16xi32>
        %parallel_loop3A_187 = arith.index_cast %parallel_loop3A_153 : i32 to index
        %parallel_loop3A_188 = arith.index_cast %parallel_loop3A_171 : i32 to index
        %parallel_loop3A_189 = tpu.vector_load %arg11[%parallel_loop3A_187, %parallel_loop3A_188] {strides = array<i32>} : memref<4x128xi32, #tpu.memory_space<vmem>>, vector<1x16xi32>,
        %parallel_loop3A_190 = vector.shape_cast %parallel_loop3A_189 : vector<1x16xi32> to vector<16xi32>
        %parallel_loop3A_191 = vector.shape_cast %parallel_loop3A_186 : vector<16xi32> to vector<1x16xi32>
        tpu.vector_store %arg11[%parallel_loop3A_187, %parallel_loop3A_188], %parallel_loop3A_191 {strides = array<i32>} : memref<4x128xi32, #tpu.memory_space<vmem>>, vector<1x16xi32>,
      } {sc.loop_unroll_factor = 1 : i64, sc.parallel_access}
      %parallel_loop3A_123 = arith.constant 0 : i32
      %parallel_loop3A_124 = arith.constant 512 : i32
      %parallel_loop3A_125 = arith.constant 1 : i32
      scf.for %parallel_loop3A_129 = %parallel_loop3A_123 to %parallel_loop3A_124 step %parallel_loop3A_125  : i32 {
        %parallel_loop3A_130 = arith.index_cast %parallel_loop3A_129 : i32 to index
        %parallel_loop3A_131 = tpu.vector_load %arg10[%parallel_loop3A_130] {strides = array<i32>} : memref<528xf32, #tpu.memory_space<vmem>>, vector<16xf32>,
        %parallel_loop3A_132 = vector.shape_cast %parallel_loop3A_131 : vector<16xf32> to vector<16xf32>
        %parallel_loop3A_133 = vector.extract_strided_slice %parallel_loop3A_132 {offsets = [0], sizes = [1], strides = [1]} : vector<16xf32> to vector<1xf32>
        %parallel_loop3A_134 = vector.extract %parallel_loop3A_133[0] : f32 from vector<1xf32>
        %parallel_loop3A_135 = arith.index_cast %parallel_loop3A_129 : i32 to index
        %parallel_loop3A_136 = arith.constant 0 : index
        %parallel_loop3A_137 = tpu.vector_load %arg12[%parallel_loop3A_135, %parallel_loop3A_136] {strides = array<i32>} : memref<512x32xf32, #tpu.memory_space<vmem>>, vector<1x16xf32>,
        %parallel_loop3A_138 = vector.shape_cast %parallel_loop3A_137 : vector<1x16xf32> to vector<16xf32>
        %parallel_loop3A_139 = vector.broadcast %parallel_loop3A_134 : f32 to vector<16xf32>
        %parallel_loop3A_140 = arith.mulf %parallel_loop3A_138, %parallel_loop3A_139 : vector<16xf32>
        %parallel_loop3A_141 = arith.index_cast %parallel_loop3A_129 : i32 to index
        %parallel_loop3A_142 = arith.constant 0 : index
        %parallel_loop3A_143 = tpu.vector_load %arg12[%parallel_loop3A_141, %parallel_loop3A_142] {strides = array<i32>} : memref<512x32xf32, #tpu.memory_space<vmem>>, vector<1x16xf32>,
        %parallel_loop3A_144 = vector.shape_cast %parallel_loop3A_143 : vector<1x16xf32> to vector<16xf32>
        %parallel_loop3A_145 = vector.shape_cast %parallel_loop3A_140 : vector<16xf32> to vector<1x16xf32>
        tpu.vector_store %arg12[%parallel_loop3A_141, %parallel_loop3A_142], %parallel_loop3A_145 {strides = array<i32>} : memref<512x32xf32, #tpu.memory_space<vmem>>, vector<1x16xf32>,
        %parallel_loop3A_146 = arith.index_cast %parallel_loop3A_129 : i32 to index
        %parallel_loop3A_147 = arith.constant 16 : index
        %parallel_loop3A_148 = tpu.vector_load %arg12[%parallel_loop3A_146, %parallel_loop3A_147] {strides = array<i32>} : memref<512x32xf32, #tpu.memory_space<vmem>>, vector<1x16xf32>,
        %parallel_loop3A_149 = vector.shape_cast %parallel_loop3A_148 : vector<1x16xf32> to vector<16xf32>
        %parallel_loop3A_150 = vector.broadcast %parallel_loop3A_134 : f32 to vector<16xf32>
        %parallel_loop3A_151 = arith.mulf %parallel_loop3A_149, %parallel_loop3A_150 : vector<16xf32>
        %parallel_loop3A_152 = arith.index_cast %parallel_loop3A_129 : i32 to index
        %parallel_loop3A_153 = arith.constant 16 : index
        %parallel_loop3A_154 = tpu.vector_load %arg12[%parallel_loop3A_152, %parallel_loop3A_153] {strides = array<i32>} : memref<512x32xf32, #tpu.memory_space<vmem>>, vector<1x16xf32>,
        %parallel_loop3A_155 = vector.shape_cast %parallel_loop3A_154 : vector<1x16xf32> to vector<16xf32>
        %parallel_loop3A_156 = vector.shape_cast %parallel_loop3A_151 : vector<16xf32> to vector<1x16xf32>
        tpu.vector_store %arg12[%parallel_loop3A_152, %parallel_loop3A_153], %parallel_loop3A_156 {strides = array<i32>} : memref<512x32xf32, #tpu.memory_space<vmem>>, vector<1x16xf32>,
      } {sc.loop_unroll_factor = 1 : i64, sc.parallel_access}
      %run_scoped3A = arith.constant 0 : i32
      "tpu.region"() ({
        %run_scoped3A_129 = tpu.sem_alloc : memref<!tpu.dma_semaphore, #tpu.memory_space<semaphore_mem>>
        %dma_start3A_130 = arith.constant 0 : i32
        %dma_start3A_131 = arith.constant 0 : i32
        %dma_start3A_132 = tpu.memref_slice %arg12[%dma_start3A_130, %dma_start3A_131] : memref<512x32xf32, #tpu.memory_space<vmem>> -> memref<128x32xf32, #tpu.memory_space<vmem>>
        %dma_start3A_133 = arith.constant 0 : i32
        %dma_start3A_134 = tpu.memref_slice %arg11[%run_scoped3A, %dma_start3A_133] : memref<4x128xi32, #tpu.memory_space<vmem>> -> memref<1x128xi32, #tpu.memory_space<vmem>>
        %dma_start3A_135 = tpu.memref_squeeze %dma_start3A_134 : memref<1x128xi32, #tpu.memory_space<vmem>> -> memref<128xi32, #tpu.memory_space<vmem>>
        %dma_start3A_136 = arith.constant 0 : i32
        %dma_start3A_137 = arith.constant 0 : i32
        %dma_start3A_138 = tpu.memref_slice %arg7[%dma_start3A_136, %dma_start3A_137] : memref<50176x32xf32, #tpu.memory_space<vmem_shared>> -> memref<50176x32xf32, #tpu.memory_space<vmem_shared>>
        tpu.enqueue_indirect_dma source(%dma_start3A_132 : memref<128x32xf32, #tpu.memory_space<vmem>>) target(%dma_start3A_138 : memref<50176x32xf32, #tpu.memory_space<vmem_shared>>) offsets(%dma_start3A_135 : memref<128xi32, #tpu.memory_space<vmem>>) semaphore(%run_scoped3A_129 : memref<!tpu.dma_semaphore, #tpu.memory_space<semaphore_mem>>) {add = true}
        %dma_wait3A_139 = arith.constant 0 : i32
        %dma_wait3A_140 = arith.constant 0 : i32
        %dma_wait3A_141 = tpu.memref_slice %arg12[%dma_wait3A_139, %dma_wait3A_140] : memref<512x32xf32, #tpu.memory_space<vmem>> -> memref<128x32xf32, #tpu.memory_space<vmem>>
        %dma_wait3A_142 = arith.constant 0 : i32
        %dma_wait3A_143 = tpu.memref_slice %arg11[%run_scoped3A, %dma_wait3A_142] : memref<4x128xi32, #tpu.memory_space<vmem>> -> memref<1x128xi32, #tpu.memory_space<vmem>>
        %dma_wait3A_144 = tpu.memref_squeeze %dma_wait3A_143 : memref<1x128xi32, #tpu.memory_space<vmem>> -> memref<128xi32, #tpu.memory_space<vmem>>
        %dma_wait3A_145 = arith.constant 0 : i32
        %dma_wait3A_146 = arith.constant 0 : i32
        %dma_wait3A_147 = tpu.memref_slice %arg7[%dma_wait3A_145, %dma_wait3A_146] : memref<50176x32xf32, #tpu.memory_space<vmem_shared>> -> memref<50176x32xf32, #tpu.memory_space<vmem_shared>>
        tpu.wait_indirect_dma semaphore(%run_scoped3A_129 : memref<!tpu.dma_semaphore, #tpu.memory_space<semaphore_mem>>) src(%dma_wait3A_141 : memref<128x32xf32, #tpu.memory_space<vmem>>) dst(%dma_wait3A_147 : memref<50176x32xf32, #tpu.memory_space<vmem_shared>>)
        tpu.yield
      }) : () -> ()
      %run_scoped3A_126 = arith.constant 1 : i32
      "tpu.region"() ({
        %run_scoped3A_129 = tpu.sem_alloc : memref<!tpu.dma_semaphore, #tpu.memory_space<semaphore_mem>>
        %dma_start3A_130 = arith.constant 128 : i32
        %dma_start3A_131 = arith.constant 0 : i32
        %dma_start3A_132 = tpu.memref_slice %arg12[%dma_start3A_130, %dma_start3A_131] : memref<512x32xf32, #tpu.memory_space<vmem>> -> memref<128x32xf32, #tpu.memory_space<vmem>>
        %dma_start3A_133 = arith.constant 0 : i32
        %dma_start3A_134 = tpu.memref_slice %arg11[%run_scoped3A_126, %dma_start3A_133] : memref<4x128xi32, #tpu.memory_space<vmem>> -> memref<1x128xi32, #tpu.memory_space<vmem>>
        %dma_start3A_135 = tpu.memref_squeeze %dma_start3A_134 : memref<1x128xi32, #tpu.memory_space<vmem>> -> memref<128xi32, #tpu.memory_space<vmem>>
        %dma_start3A_136 = arith.constant 0 : i32
        %dma_start3A_137 = arith.constant 0 : i32
        %dma_start3A_138 = tpu.memref_slice %arg7[%dma_start3A_136, %dma_start3A_137] : memref<50176x32xf32, #tpu.memory_space<vmem_shared>> -> memref<50176x32xf32, #tpu.memory_space<vmem_shared>>
        tpu.enqueue_indirect_dma source(%dma_start3A_132 : memref<128x32xf32, #tpu.memory_space<vmem>>) target(%dma_start3A_138 : memref<50176x32xf32, #tpu.memory_space<vmem_shared>>) offsets(%dma_start3A_135 : memref<128xi32, #tpu.memory_space<vmem>>) semaphore(%run_scoped3A_129 : memref<!tpu.dma_semaphore, #tpu.memory_space<semaphore_mem>>) {add = true}
        %dma_wait3A_139 = arith.constant 128 : i32
        %dma_wait3A_140 = arith.constant 0 : i32
        %dma_wait3A_141 = tpu.memref_slice %arg12[%dma_wait3A_139, %dma_wait3A_140] : memref<512x32xf32, #tpu.memory_space<vmem>> -> memref<128x32xf32, #tpu.memory_space<vmem>>
        %dma_wait3A_142 = arith.constant 0 : i32
        %dma_wait3A_143 = tpu.memref_slice %arg11[%run_scoped3A_126, %dma_wait3A_142] : memref<4x128xi32, #tpu.memory_space<vmem>> -> memref<1x128xi32, #tpu.memory_space<vmem>>
        %dma_wait3A_144 = tpu.memref_squeeze %dma_wait3A_143 : memref<1x128xi32, #tpu.memory_space<vmem>> -> memref<128xi32, #tpu.memory_space<vmem>>
        %dma_wait3A_145 = arith.constant 0 : i32
        %dma_wait3A_146 = arith.constant 0 : i32
        %dma_wait3A_147 = tpu.memref_slice %arg7[%dma_wait3A_145, %dma_wait3A_146] : memref<50176x32xf32, #tpu.memory_space<vmem_shared>> -> memref<50176x32xf32, #tpu.memory_space<vmem_shared>>
        tpu.wait_indirect_dma semaphore(%run_scoped3A_129 : memref<!tpu.dma_semaphore, #tpu.memory_space<semaphore_mem>>) src(%dma_wait3A_141 : memref<128x32xf32, #tpu.memory_space<vmem>>) dst(%dma_wait3A_147 : memref<50176x32xf32, #tpu.memory_space<vmem_shared>>)
        tpu.yield
      }) : () -> ()
      %run_scoped3A_127 = arith.constant 2 : i32
      "tpu.region"() ({
        %run_scoped3A_129 = tpu.sem_alloc : memref<!tpu.dma_semaphore, #tpu.memory_space<semaphore_mem>>
        %dma_start3A_130 = arith.constant 256 : i32
        %dma_start3A_131 = arith.constant 0 : i32
        %dma_start3A_132 = tpu.memref_slice %arg12[%dma_start3A_130, %dma_start3A_131] : memref<512x32xf32, #tpu.memory_space<vmem>> -> memref<128x32xf32, #tpu.memory_space<vmem>>
        %dma_start3A_133 = arith.constant 0 : i32
        %dma_start3A_134 = tpu.memref_slice %arg11[%run_scoped3A_127, %dma_start3A_133] : memref<4x128xi32, #tpu.memory_space<vmem>> -> memref<1x128xi32, #tpu.memory_space<vmem>>
        %dma_start3A_135 = tpu.memref_squeeze %dma_start3A_134 : memref<1x128xi32, #tpu.memory_space<vmem>> -> memref<128xi32, #tpu.memory_space<vmem>>
        %dma_start3A_136 = arith.constant 0 : i32
        %dma_start3A_137 = arith.constant 0 : i32
        %dma_start3A_138 = tpu.memref_slice %arg7[%dma_start3A_136, %dma_start3A_137] : memref<50176x32xf32, #tpu.memory_space<vmem_shared>> -> memref<50176x32xf32, #tpu.memory_space<vmem_shared>>
        tpu.enqueue_indirect_dma source(%dma_start3A_132 : memref<128x32xf32, #tpu.memory_space<vmem>>) target(%dma_start3A_138 : memref<50176x32xf32, #tpu.memory_space<vmem_shared>>) offsets(%dma_start3A_135 : memref<128xi32, #tpu.memory_space<vmem>>) semaphore(%run_scoped3A_129 : memref<!tpu.dma_semaphore, #tpu.memory_space<semaphore_mem>>) {add = true}
        %dma_wait3A_139 = arith.constant 256 : i32
        %dma_wait3A_140 = arith.constant 0 : i32
        %dma_wait3A_141 = tpu.memref_slice %arg12[%dma_wait3A_139, %dma_wait3A_140] : memref<512x32xf32, #tpu.memory_space<vmem>> -> memref<128x32xf32, #tpu.memory_space<vmem>>
        %dma_wait3A_142 = arith.constant 0 : i32
        %dma_wait3A_143 = tpu.memref_slice %arg11[%run_scoped3A_127, %dma_wait3A_142] : memref<4x128xi32, #tpu.memory_space<vmem>> -> memref<1x128xi32, #tpu.memory_space<vmem>>
        %dma_wait3A_144 = tpu.memref_squeeze %dma_wait3A_143 : memref<1x128xi32, #tpu.memory_space<vmem>> -> memref<128xi32, #tpu.memory_space<vmem>>
        %dma_wait3A_145 = arith.constant 0 : i32
        %dma_wait3A_146 = arith.constant 0 : i32
        %dma_wait3A_147 = tpu.memref_slice %arg7[%dma_wait3A_145, %dma_wait3A_146] : memref<50176x32xf32, #tpu.memory_space<vmem_shared>> -> memref<50176x32xf32, #tpu.memory_space<vmem_shared>>
        tpu.wait_indirect_dma semaphore(%run_scoped3A_129 : memref<!tpu.dma_semaphore, #tpu.memory_space<semaphore_mem>>) src(%dma_wait3A_141 : memref<128x32xf32, #tpu.memory_space<vmem>>) dst(%dma_wait3A_147 : memref<50176x32xf32, #tpu.memory_space<vmem_shared>>)
        tpu.yield
      }) : () -> ()
      %run_scoped3A_128 = arith.constant 3 : i32
      "tpu.region"() ({
        %run_scoped3A_129 = tpu.sem_alloc : memref<!tpu.dma_semaphore, #tpu.memory_space<semaphore_mem>>
        %dma_start3A_130 = arith.constant 384 : i32
        %dma_start3A_131 = arith.constant 0 : i32
        %dma_start3A_132 = tpu.memref_slice %arg12[%dma_start3A_130, %dma_start3A_131] : memref<512x32xf32, #tpu.memory_space<vmem>> -> memref<128x32xf32, #tpu.memory_space<vmem>>
        %dma_start3A_133 = arith.constant 0 : i32
        %dma_start3A_134 = tpu.memref_slice %arg11[%run_scoped3A_128, %dma_start3A_133] : memref<4x128xi32, #tpu.memory_space<vmem>> -> memref<1x128xi32, #tpu.memory_space<vmem>>
        %dma_start3A_135 = tpu.memref_squeeze %dma_start3A_134 : memref<1x128xi32, #tpu.memory_space<vmem>> -> memref<128xi32, #tpu.memory_space<vmem>>
        %dma_start3A_136 = arith.constant 0 : i32
        %dma_start3A_137 = arith.constant 0 : i32
        %dma_start3A_138 = tpu.memref_slice %arg7[%dma_start3A_136, %dma_start3A_137] : memref<50176x32xf32, #tpu.memory_space<vmem_shared>> -> memref<50176x32xf32, #tpu.memory_space<vmem_shared>>
        tpu.enqueue_indirect_dma source(%dma_start3A_132 : memref<128x32xf32, #tpu.memory_space<vmem>>) target(%dma_start3A_138 : memref<50176x32xf32, #tpu.memory_space<vmem_shared>>) offsets(%dma_start3A_135 : memref<128xi32, #tpu.memory_space<vmem>>) semaphore(%run_scoped3A_129 : memref<!tpu.dma_semaphore, #tpu.memory_space<semaphore_mem>>) {add = true}
        %dma_wait3A_139 = arith.constant 384 : i32
        %dma_wait3A_140 = arith.constant 0 : i32
        %dma_wait3A_141 = tpu.memref_slice %arg12[%dma_wait3A_139, %dma_wait3A_140] : memref<512x32xf32, #tpu.memory_space<vmem>> -> memref<128x32xf32, #tpu.memory_space<vmem>>
        %dma_wait3A_142 = arith.constant 0 : i32
        %dma_wait3A_143 = tpu.memref_slice %arg11[%run_scoped3A_128, %dma_wait3A_142] : memref<4x128xi32, #tpu.memory_space<vmem>> -> memref<1x128xi32, #tpu.memory_space<vmem>>
        %dma_wait3A_144 = tpu.memref_squeeze %dma_wait3A_143 : memref<1x128xi32, #tpu.memory_space<vmem>> -> memref<128xi32, #tpu.memory_space<vmem>>
        %dma_wait3A_145 = arith.constant 0 : i32
        %dma_wait3A_146 = arith.constant 0 : i32
        %dma_wait3A_147 = tpu.memref_slice %arg7[%dma_wait3A_145, %dma_wait3A_146] : memref<50176x32xf32, #tpu.memory_space<vmem_shared>> -> memref<50176x32xf32, #tpu.memory_space<vmem_shared>>
        tpu.wait_indirect_dma semaphore(%run_scoped3A_129 : memref<!tpu.dma_semaphore, #tpu.memory_space<semaphore_mem>>) src(%dma_wait3A_141 : memref<128x32xf32, #tpu.memory_space<vmem>>) dst(%dma_wait3A_147 : memref<50176x32xf32, #tpu.memory_space<vmem_shared>>)
        tpu.yield
      }) : () -> ()
    }
    %scan3A_18 = arith.constant 200 : i32
    %barrier3A_19 = arith.constant 0 : index
    tpu.barrier barrier_id(%barrier3A_19)
    %mul3A_20 = arith.constant 3128 : i32
    %mul3A_21 = arith.muli %arg1, %mul3A_20 : i32
    %lt3A = arith.constant 15 : i32
    %lt3A_22 = arith.cmpi slt, %arg1, %lt3A : i32
    %convert_element_type3A = arith.extui %lt3A_22 : i1 to i32
    %cond3A = arith.constant 0 : i32
    %cond3A_23 = arith.cmpi ne, %convert_element_type3A, %cond3A : i32
    scf.if %cond3A_23 {
      %add3A_28 = arith.addi %mul3A_0, %mul3A_21 : i32
      "tpu.region"() ({
        %run_scoped3A = tpu.sem_alloc : memref<!tpu.dma_semaphore, #tpu.memory_space<semaphore_mem>>
        %dma_start3A = arith.constant 0 : i32
        %dma_start3A_29 = tpu.memref_slice %arg6[%add3A_28, %dma_start3A] : memref<100000x32xf32, #tpu.memory_space<hbm>> -> memref<3128x32xf32, #tpu.memory_space<hbm>>
        %dma_start3A_30 = arith.constant 0 : i32
        %dma_start3A_31 = tpu.memref_slice %arg7[%mul3A_21, %dma_start3A_30] : memref<50176x32xf32, #tpu.memory_space<vmem_shared>> -> memref<3128x32xf32, #tpu.memory_space<vmem_shared>>
        tpu.enqueue_dma source(%dma_start3A_31 : memref<3128x32xf32, #tpu.memory_space<vmem_shared>>) target(%dma_start3A_29 : memref<3128x32xf32, #tpu.memory_space<hbm>>) target_semaphore(%run_scoped3A : memref<!tpu.dma_semaphore, #tpu.memory_space<semaphore_mem>>)
        %dma_wait3A = arith.constant 0 : i32
        %dma_wait3A_32 = tpu.memref_slice %arg6[%add3A_28, %dma_wait3A] : memref<100000x32xf32, #tpu.memory_space<hbm>> -> memref<3128x32xf32, #tpu.memory_space<hbm>>
        %dma_wait3A_33 = arith.constant 0 : i32
        %dma_wait3A_34 = tpu.memref_slice %arg7[%mul3A_21, %dma_wait3A_33] : memref<50176x32xf32, #tpu.memory_space<vmem_shared>> -> memref<3128x32xf32, #tpu.memory_space<vmem_shared>>
        tpu.wait_dma2 semaphore(%run_scoped3A : memref<!tpu.dma_semaphore, #tpu.memory_space<semaphore_mem>>) src(%dma_wait3A_34 : memref<3128x32xf32, #tpu.memory_space<vmem_shared>>) dst(%dma_wait3A_32 : memref<3128x32xf32, #tpu.memory_space<hbm>>)
        tpu.yield
      }) : () -> ()
    } else {
    }
    %eq3A = arith.constant 15 : i32
    %eq3A_24 = arith.cmpi eq, %arg1, %eq3A : i32
    %convert_element_type3A_25 = arith.extui %eq3A_24 : i1 to i32
    %cond3A_26 = arith.constant 0 : i32
    %cond3A_27 = arith.cmpi ne, %convert_element_type3A_25, %cond3A_26 : i32
    scf.if %cond3A_27 {
      %add3A_28 = arith.constant 46920 : i32
      %add3A_29 = arith.addi %mul3A_0, %add3A_28 : i32
      "tpu.region"() ({
        %run_scoped3A = tpu.sem_alloc : memref<!tpu.dma_semaphore, #tpu.memory_space<semaphore_mem>>
        %dma_start3A = arith.constant 0 : i32
        %dma_start3A_30 = tpu.memref_slice %arg6[%add3A_29, %dma_start3A] : memref<100000x32xf32, #tpu.memory_space<hbm>> -> memref<3080x32xf32, #tpu.memory_space<hbm>>
        %dma_start3A_31 = arith.constant 46920 : i32
        %dma_start3A_32 = arith.constant 0 : i32
        %dma_start3A_33 = tpu.memref_slice %arg7[%dma_start3A_31, %dma_start3A_32] : memref<50176x32xf32, #tpu.memory_space<vmem_shared>> -> memref<3080x32xf32, #tpu.memory_space<vmem_shared>>
        tpu.enqueue_dma source(%dma_start3A_33 : memref<3080x32xf32, #tpu.memory_space<vmem_shared>>) target(%dma_start3A_30 : memref<3080x32xf32, #tpu.memory_space<hbm>>) target_semaphore(%run_scoped3A : memref<!tpu.dma_semaphore, #tpu.memory_space<semaphore_mem>>)
        %dma_wait3A = arith.constant 0 : i32
        %dma_wait3A_34 = tpu.memref_slice %arg6[%add3A_29, %dma_wait3A] : memref<100000x32xf32, #tpu.memory_space<hbm>> -> memref<3080x32xf32, #tpu.memory_space<hbm>>
        %dma_wait3A_35 = arith.constant 46920 : i32
        %dma_wait3A_36 = arith.constant 0 : i32
        %dma_wait3A_37 = tpu.memref_slice %arg7[%dma_wait3A_35, %dma_wait3A_36] : memref<50176x32xf32, #tpu.memory_space<vmem_shared>> -> memref<3080x32xf32, #tpu.memory_space<vmem_shared>>
        tpu.wait_dma2 semaphore(%run_scoped3A : memref<!tpu.dma_semaphore, #tpu.memory_space<semaphore_mem>>) src(%dma_wait3A_37 : memref<3080x32xf32, #tpu.memory_space<vmem_shared>>) dst(%dma_wait3A_34 : memref<3080x32xf32, #tpu.memory_space<hbm>>)
        tpu.yield
      }) : () -> ()
    } else {
    }
    return
  }
}

module attributes {stable_mosaic.version = 14 : i64} {
  func.func @_comm_body(%arg0: i32, %arg1: memref<1000x32xf32, #tpu.memory_space<vmem>>, %arg2: memref<1x32xf32, #tpu.memory_space<vmem>>, %arg3: memref<1x32xf32, #tpu.memory_space<vmem>>, %arg4: memref<1000x32xf32, #tpu.memory_space<vmem>>) attributes {dimension_semantics = [#tpu.dimension_semantics<arbitrary>], iteration_bounds = array<i64: 1>, scalar_prefetch = 0 : i64, scratch_operands = 0 : i64, tpu.core_type = #tpu.core_type<tc>, window_params = [{transform_indices = @transform_0, window_bounds = array<i64: 1000, 32>}, {pipeline_mode = #tpu.pipeline_mode<synchronous>, transform_indices = @transform_1, window_bounds = array<i64: 1, 32>}, {pipeline_mode = #tpu.pipeline_mode<synchronous>, transform_indices = @transform_2, window_bounds = array<i64: 1, 32>}, {transform_indices = @transform_3, window_bounds = array<i64: 1000, 32>}]} {
    %get3A = arith.constant 0 : index
    %get3A_0 = arith.constant 0 : index
    %get3A_1 = vector.load %arg1[%get3A, %get3A_0] : memref<1000x32xf32, #tpu.memory_space<vmem>>, vector<1000x32xf32>
    %get3A_2 = arith.constant 0 : index
    %get3A_3 = arith.constant 0 : index
    %get3A_4 = vector.load %arg2[%get3A_2, %get3A_3] : memref<1x32xf32, #tpu.memory_space<vmem>>, vector<1x32xf32>
    %get3A_5 = arith.constant 0 : index
    %get3A_6 = arith.constant 0 : index
    %get3A_7 = vector.load %arg3[%get3A_5, %get3A_6] : memref<1x32xf32, #tpu.memory_space<vmem>>, vector<1x32xf32>
    %reduce_sum3A = arith.constant dense<0.000000e+00> : vector<1000xf32>
    %reduce_sum3A_8 = vector.multi_reduction <add>, %get3A_1, %reduce_sum3A [1] : vector<1000x32xf32> to vector<1000xf32>
    %broadcast_in_dim3A = vector.shape_cast %reduce_sum3A_8 : vector<1000xf32> to vector<1000x1xf32>
    %div3A = arith.constant 3.200000e+01 : f32
    %div3A_9 = vector.broadcast %div3A : f32 to vector<1000x1xf32>
    %div3A_10 = arith.divf %broadcast_in_dim3A, %div3A_9 : vector<1000x1xf32>
    %sub3A = vector.broadcast %div3A_10 : vector<1000x1xf32> to vector<1000x32xf32>
    %sub3A_11 = arith.subf %get3A_1, %sub3A : vector<1000x32xf32>
    %mul3A = arith.mulf %sub3A_11, %sub3A_11 : vector<1000x32xf32>
    %reduce_sum3A_12 = arith.constant dense<0.000000e+00> : vector<1000xf32>
    %reduce_sum3A_13 = vector.multi_reduction <add>, %mul3A, %reduce_sum3A_12 [1] : vector<1000x32xf32> to vector<1000xf32>
    %broadcast_in_dim3A_14 = vector.shape_cast %reduce_sum3A_13 : vector<1000xf32> to vector<1000x1xf32>
    %div3A_15 = arith.constant 3.200000e+01 : f32
    %div3A_16 = vector.broadcast %div3A_15 : f32 to vector<1000x1xf32>
    %div3A_17 = arith.divf %broadcast_in_dim3A_14, %div3A_16 : vector<1000x1xf32>
    %add3A = arith.constant 9.99999974E-6 : f32
    %add3A_18 = vector.broadcast %add3A : f32 to vector<1000x1xf32>
    %add3A_19 = arith.addf %div3A_17, %add3A_18 : vector<1000x1xf32>
    %sqrt3A = math.sqrt %add3A_19 : vector<1000x1xf32>
    %div3A_20 = vector.broadcast %sqrt3A : vector<1000x1xf32> to vector<1000x32xf32>
    %div3A_21 = arith.divf %sub3A_11, %div3A_20 : vector<1000x32xf32>
    %mul3A_22 = vector.broadcast %get3A_4 : vector<1x32xf32> to vector<1000x32xf32>
    %mul3A_23 = arith.mulf %div3A_21, %mul3A_22 : vector<1000x32xf32>
    %add3A_24 = vector.broadcast %get3A_7 : vector<1x32xf32> to vector<1000x32xf32>
    %add3A_25 = arith.addf %mul3A_23, %add3A_24 : vector<1000x32xf32>
    %swap3A = arith.constant 0 : index
    %swap3A_26 = arith.constant 0 : index
    %swap3A_27 = vector.load %arg4[%swap3A, %swap3A_26] : memref<1000x32xf32, #tpu.memory_space<vmem>>, vector<1000x32xf32>
    tpu.vector_store %arg4[%swap3A, %swap3A_26], %add3A_25 {strides = array<i32>} : memref<1000x32xf32, #tpu.memory_space<vmem>>, vector<1000x32xf32>,
    return
  }
  func.func @transform_0(%arg0: i32) -> (i32, i32) {
    %c0_i32 = arith.constant 0 : i32
    %c0_i32_0 = arith.constant 0 : i32
    return %arg0, %c0_i32 : i32, i32
  }
  func.func @transform_1(%arg0: i32) -> (i32, i32) {
    %c0_i32 = arith.constant 0 : i32
    %c0_i32_0 = arith.constant 0 : i32
    %c0_i32_1 = arith.constant 0 : i32
    return %c0_i32, %c0_i32_0 : i32, i32
  }
  func.func @transform_2(%arg0: i32) -> (i32, i32) {
    %c0_i32 = arith.constant 0 : i32
    %c0_i32_0 = arith.constant 0 : i32
    %c0_i32_1 = arith.constant 0 : i32
    return %c0_i32, %c0_i32_0 : i32, i32
  }
  func.func @transform_3(%arg0: i32) -> (i32, i32) {
    %c0_i32 = arith.constant 0 : i32
    %c0_i32_0 = arith.constant 0 : i32
    return %arg0, %c0_i32 : i32, i32
  }
}

module attributes {stable_mosaic.version = 14 : i64} {
  func.func @_pol_body(%arg0: i32, %arg1: memref<3000x8xf32, #tpu.memory_space<vmem>>, %arg2: memref<3000x1xi32, #tpu.memory_space<vmem>>, %arg3: memref<8x32xf32, #tpu.memory_space<vmem>>, %arg4: memref<1x32xf32, #tpu.memory_space<vmem>>, %arg5: memref<50x32xf32, #tpu.memory_space<vmem>>, %arg6: memref<1x32xf32, #tpu.memory_space<vmem>>, %arg7: memref<1x32xf32, #tpu.memory_space<vmem>>, %arg8: memref<3000x32xf32, #tpu.memory_space<vmem>>) attributes {dimension_semantics = [#tpu.dimension_semantics<arbitrary>], iteration_bounds = array<i64: 20>, scalar_prefetch = 0 : i64, scratch_operands = 0 : i64, tpu.core_type = #tpu.core_type<tc>, window_params = [{transform_indices = @transform_0, window_bounds = array<i64: 3000, 8>}, {transform_indices = @transform_1, window_bounds = array<i64: 3000, 1>}, {pipeline_mode = #tpu.pipeline_mode<synchronous>, transform_indices = @transform_2, window_bounds = array<i64: 8, 32>}, {pipeline_mode = #tpu.pipeline_mode<synchronous>, transform_indices = @transform_3, window_bounds = array<i64: 1, 32>}, {pipeline_mode = #tpu.pipeline_mode<synchronous>, transform_indices = @transform_4, window_bounds = array<i64: 50, 32>}, {pipeline_mode = #tpu.pipeline_mode<synchronous>, transform_indices = @transform_5, window_bounds = array<i64: 1, 32>}, {pipeline_mode = #tpu.pipeline_mode<synchronous>, transform_indices = @transform_6, window_bounds = array<i64: 1, 32>}, {transform_indices = @transform_7, window_bounds = array<i64: 3000, 32>}]} {
    %get3A = arith.constant 0 : index
    %get3A_0 = arith.constant 0 : index
    %get3A_1 = vector.load %arg1[%get3A, %get3A_0] : memref<3000x8xf32, #tpu.memory_space<vmem>>, vector<3000x8xf32>
    %get3A_2 = arith.constant 0 : index
    %get3A_3 = arith.constant 0 : index
    %get3A_4 = vector.load %arg3[%get3A_2, %get3A_3] : memref<8x32xf32, #tpu.memory_space<vmem>>, vector<8x32xf32>
    %dot_general3A = arith.constant dense<0.000000e+00> : vector<3000x32xf32>
    %dot_general3A_5 = tpu.matmul %get3A_1, %get3A_4, %dot_general3A {dimension_numbers = #tpu.dot_dimension_numbers<[1], [0], [0], [1], [0, 0, 1, 1], [], []>, transpose_lhs_hint = false} : vector<3000x8xf32>, vector<8x32xf32>, vector<3000x32xf32> -> vector<3000x32xf32>
    %get3A_6 = arith.constant 0 : index
    %get3A_7 = arith.constant 0 : index
    %get3A_8 = vector.load %arg4[%get3A_6, %get3A_7] : memref<1x32xf32, #tpu.memory_space<vmem>>, vector<1x32xf32>
    %add3A = vector.broadcast %get3A_8 : vector<1x32xf32> to vector<3000x32xf32>
    %add3A_9 = arith.addf %dot_general3A_5, %add3A : vector<3000x32xf32>
    %max3A = arith.constant 0.000000e+00 : f32
    %max3A_10 = vector.broadcast %max3A : f32 to vector<3000x32xf32>
    %max3A_11 = arith.maximumf %add3A_9, %max3A_10 : vector<3000x32xf32>
    %iota3A = tpu.iota {dimensions = array<i32: 1>} : vector<3000x50xi32>
    %get3A_12 = arith.constant 0 : index
    %get3A_13 = arith.constant 0 : index
    %get3A_14 = vector.load %arg2[%get3A_12, %get3A_13] : memref<3000x1xi32, #tpu.memory_space<vmem>>, vector<3000x1xi32>
    %eq3A = vector.broadcast %get3A_14 : vector<3000x1xi32> to vector<3000x50xi32>
    %eq3A_15 = arith.cmpi eq, %iota3A, %eq3A : vector<3000x50xi32>
    %convert_element_type3A = arith.extui %eq3A_15 : vector<3000x50xi1> to vector<3000x50xi32>
    %convert_element_type3A_16 = arith.sitofp %convert_element_type3A : vector<3000x50xi32> to vector<3000x50xf32>
    %get3A_17 = arith.constant 0 : index
    %get3A_18 = arith.constant 0 : index
    %get3A_19 = vector.load %arg5[%get3A_17, %get3A_18] : memref<50x32xf32, #tpu.memory_space<vmem>>, vector<50x32xf32>
    %dot_general3A_20 = arith.constant dense<0.000000e+00> : vector<3000x32xf32>
    %dot_general3A_21 = tpu.matmul %convert_element_type3A_16, %get3A_19, %dot_general3A_20 {dimension_numbers = #tpu.dot_dimension_numbers<[1], [0], [0], [1], [0, 0, 1, 1], [], []>, transpose_lhs_hint = false} : vector<3000x50xf32>, vector<50x32xf32>, vector<3000x32xf32> -> vector<3000x32xf32>
    %add3A_22 = arith.addf %max3A_11, %dot_general3A_21 : vector<3000x32xf32>
    %get3A_23 = arith.constant 0 : index
    %get3A_24 = arith.constant 0 : index
    %get3A_25 = vector.load %arg6[%get3A_23, %get3A_24] : memref<1x32xf32, #tpu.memory_space<vmem>>, vector<1x32xf32>
    %get3A_26 = arith.constant 0 : index
    %get3A_27 = arith.constant 0 : index
    %get3A_28 = vector.load %arg7[%get3A_26, %get3A_27] : memref<1x32xf32, #tpu.memory_space<vmem>>, vector<1x32xf32>
    %reduce_sum3A = arith.constant dense<0.000000e+00> : vector<3000xf32>
    %reduce_sum3A_29 = vector.multi_reduction <add>, %add3A_22, %reduce_sum3A [1] : vector<3000x32xf32> to vector<3000xf32>
    %broadcast_in_dim3A = vector.shape_cast %reduce_sum3A_29 : vector<3000xf32> to vector<3000x1xf32>
    %div3A = arith.constant 3.200000e+01 : f32
    %div3A_30 = vector.broadcast %div3A : f32 to vector<3000x1xf32>
    %div3A_31 = arith.divf %broadcast_in_dim3A, %div3A_30 : vector<3000x1xf32>
    %sub3A = vector.broadcast %div3A_31 : vector<3000x1xf32> to vector<3000x32xf32>
    %sub3A_32 = arith.subf %add3A_22, %sub3A : vector<3000x32xf32>
    %mul3A = arith.mulf %sub3A_32, %sub3A_32 : vector<3000x32xf32>
    %reduce_sum3A_33 = arith.constant dense<0.000000e+00> : vector<3000xf32>
    %reduce_sum3A_34 = vector.multi_reduction <add>, %mul3A, %reduce_sum3A_33 [1] : vector<3000x32xf32> to vector<3000xf32>
    %broadcast_in_dim3A_35 = vector.shape_cast %reduce_sum3A_34 : vector<3000xf32> to vector<3000x1xf32>
    %div3A_36 = arith.constant 3.200000e+01 : f32
    %div3A_37 = vector.broadcast %div3A_36 : f32 to vector<3000x1xf32>
    %div3A_38 = arith.divf %broadcast_in_dim3A_35, %div3A_37 : vector<3000x1xf32>
    %add3A_39 = arith.constant 9.99999974E-6 : f32
    %add3A_40 = vector.broadcast %add3A_39 : f32 to vector<3000x1xf32>
    %add3A_41 = arith.addf %div3A_38, %add3A_40 : vector<3000x1xf32>
    %sqrt3A = math.sqrt %add3A_41 : vector<3000x1xf32>
    %div3A_42 = vector.broadcast %sqrt3A : vector<3000x1xf32> to vector<3000x32xf32>
    %div3A_43 = arith.divf %sub3A_32, %div3A_42 : vector<3000x32xf32>
    %mul3A_44 = vector.broadcast %get3A_25 : vector<1x32xf32> to vector<3000x32xf32>
    %mul3A_45 = arith.mulf %div3A_43, %mul3A_44 : vector<3000x32xf32>
    %add3A_46 = vector.broadcast %get3A_28 : vector<1x32xf32> to vector<3000x32xf32>
    %add3A_47 = arith.addf %mul3A_45, %add3A_46 : vector<3000x32xf32>
    %swap3A = arith.constant 0 : index
    %swap3A_48 = arith.constant 0 : index
    %swap3A_49 = vector.load %arg8[%swap3A, %swap3A_48] : memref<3000x32xf32, #tpu.memory_space<vmem>>, vector<3000x32xf32>
    tpu.vector_store %arg8[%swap3A, %swap3A_48], %add3A_47 {strides = array<i32>} : memref<3000x32xf32, #tpu.memory_space<vmem>>, vector<3000x32xf32>,
    return
  }
  func.func @transform_0(%arg0: i32) -> (i32, i32) {
    %c0_i32 = arith.constant 0 : i32
    %c0_i32_0 = arith.constant 0 : i32
    return %arg0, %c0_i32 : i32, i32
  }
  func.func @transform_1(%arg0: i32) -> (i32, i32) {
    %c0_i32 = arith.constant 0 : i32
    %c0_i32_0 = arith.constant 0 : i32
    return %arg0, %c0_i32 : i32, i32
  }
  func.func @transform_2(%arg0: i32) -> (i32, i32) {
    %c0_i32 = arith.constant 0 : i32
    %c0_i32_0 = arith.constant 0 : i32
    %c0_i32_1 = arith.constant 0 : i32
    return %c0_i32, %c0_i32_0 : i32, i32
  }
  func.func @transform_3(%arg0: i32) -> (i32, i32) {
    %c0_i32 = arith.constant 0 : i32
    %c0_i32_0 = arith.constant 0 : i32
    %c0_i32_1 = arith.constant 0 : i32
    return %c0_i32, %c0_i32_0 : i32, i32
  }
  func.func @transform_4(%arg0: i32) -> (i32, i32) {
    %c0_i32 = arith.constant 0 : i32
    %c0_i32_0 = arith.constant 0 : i32
    %c0_i32_1 = arith.constant 0 : i32
    return %c0_i32, %c0_i32_0 : i32, i32
  }
  func.func @transform_5(%arg0: i32) -> (i32, i32) {
    %c0_i32 = arith.constant 0 : i32
    %c0_i32_0 = arith.constant 0 : i32
    %c0_i32_1 = arith.constant 0 : i32
    return %c0_i32, %c0_i32_0 : i32, i32
  }
  func.func @transform_6(%arg0: i32) -> (i32, i32) {
    %c0_i32 = arith.constant 0 : i32
    %c0_i32_0 = arith.constant 0 : i32
    %c0_i32_1 = arith.constant 0 : i32
    return %c0_i32, %c0_i32_0 : i32, i32
  }
  func.func @transform_7(%arg0: i32) -> (i32, i32) {
    %c0_i32 = arith.constant 0 : i32
    %c0_i32_0 = arith.constant 0 : i32
    return %arg0, %c0_i32 : i32, i32
  }
}

module attributes {stable_mosaic.version = 14 : i64} {
  func.func @_comp_body(%arg0: i32, %arg1: memref<3000x1xi32, #tpu.memory_space<vmem>>, %arg2: memref<3000x1xi32, #tpu.memory_space<vmem>>, %arg3: memref<3000x1xf32, #tpu.memory_space<vmem>>, %arg4: memref<12x8xf32, #tpu.memory_space<vmem>>, %arg5: memref<152x8xf32, #tpu.memory_space<vmem>>, %arg6: memref<8x32xf32, #tpu.memory_space<vmem>>, %arg7: memref<8x32xf32, #tpu.memory_space<vmem>>, %arg8: memref<1x32xf32, #tpu.memory_space<vmem>>, %arg9: memref<1x32xf32, #tpu.memory_space<vmem>>, %arg10: memref<1x32xf32, #tpu.memory_space<vmem>>, %arg11: memref<1x32xf32, #tpu.memory_space<vmem>>, %arg12: memref<3000x32xf32, #tpu.memory_space<vmem>>) attributes {dimension_semantics = [#tpu.dimension_semantics<arbitrary>], iteration_bounds = array<i64: 13>, scalar_prefetch = 0 : i64, scratch_operands = 0 : i64, tpu.core_type = #tpu.core_type<tc>, window_params = [{transform_indices = @transform_0, window_bounds = array<i64: 3000, 1>}, {transform_indices = @transform_1, window_bounds = array<i64: 3000, 1>}, {transform_indices = @transform_2, window_bounds = array<i64: 3000, 1>}, {pipeline_mode = #tpu.pipeline_mode<synchronous>, transform_indices = @transform_3, window_bounds = array<i64: 12, 8>}, {pipeline_mode = #tpu.pipeline_mode<synchronous>, transform_indices = @transform_4, window_bounds = array<i64: 152, 8>}, {pipeline_mode = #tpu.pipeline_mode<synchronous>, transform_indices = @transform_5, window_bounds = array<i64: 8, 32>}, {pipeline_mode = #tpu.pipeline_mode<synchronous>, transform_indices = @transform_6, window_bounds = array<i64: 8, 32>}, {pipeline_mode = #tpu.pipeline_mode<synchronous>, transform_indices = @transform_7, window_bounds = array<i64: 1, 32>}, {pipeline_mode = #tpu.pipeline_mode<synchronous>, transform_indices = @transform_8, window_bounds = array<i64: 1, 32>}, {pipeline_mode = #tpu.pipeline_mode<synchronous>, transform_indices = @transform_9, window_bounds = array<i64: 1, 32>}, {pipeline_mode = #tpu.pipeline_mode<synchronous>, transform_indices = @transform_10, window_bounds = array<i64: 1, 32>}, {transform_indices = @transform_11, window_bounds = array<i64: 3000, 32>}]} {
    %iota3A = tpu.iota {dimensions = array<i32: 1>} : vector<3000x12xi32>
    %get3A = arith.constant 0 : index
    %get3A_0 = arith.constant 0 : index
    %get3A_1 = vector.load %arg1[%get3A, %get3A_0] : memref<3000x1xi32, #tpu.memory_space<vmem>>, vector<3000x1xi32>
    %eq3A = vector.broadcast %get3A_1 : vector<3000x1xi32> to vector<3000x12xi32>
    %eq3A_2 = arith.cmpi eq, %iota3A, %eq3A : vector<3000x12xi32>
    %convert_element_type3A = arith.extui %eq3A_2 : vector<3000x12xi1> to vector<3000x12xi32>
    %convert_element_type3A_3 = arith.sitofp %convert_element_type3A : vector<3000x12xi32> to vector<3000x12xf32>
    %get3A_4 = arith.constant 0 : index
    %get3A_5 = arith.constant 0 : index
    %get3A_6 = vector.load %arg4[%get3A_4, %get3A_5] : memref<12x8xf32, #tpu.memory_space<vmem>>, vector<12x8xf32>
    %dot_general3A = arith.constant dense<0.000000e+00> : vector<3000x8xf32>
    %dot_general3A_7 = tpu.matmul %convert_element_type3A_3, %get3A_6, %dot_general3A {dimension_numbers = #tpu.dot_dimension_numbers<[1], [0], [0], [1], [0, 0, 1, 1], [], []>, transpose_lhs_hint = false} : vector<3000x12xf32>, vector<12x8xf32>, vector<3000x8xf32> -> vector<3000x8xf32>
    %iota3A_8 = tpu.iota {dimensions = array<i32: 1>} : vector<3000x152xi32>
    %get3A_9 = arith.constant 0 : index
    %get3A_10 = arith.constant 0 : index
    %get3A_11 = vector.load %arg2[%get3A_9, %get3A_10] : memref<3000x1xi32, #tpu.memory_space<vmem>>, vector<3000x1xi32>
    %eq3A_12 = vector.broadcast %get3A_11 : vector<3000x1xi32> to vector<3000x152xi32>
    %eq3A_13 = arith.cmpi eq, %iota3A_8, %eq3A_12 : vector<3000x152xi32>
    %convert_element_type3A_14 = arith.extui %eq3A_13 : vector<3000x152xi1> to vector<3000x152xi32>
    %convert_element_type3A_15 = arith.sitofp %convert_element_type3A_14 : vector<3000x152xi32> to vector<3000x152xf32>
    %get3A_16 = arith.constant 0 : index
    %get3A_17 = arith.constant 0 : index
    %get3A_18 = vector.load %arg5[%get3A_16, %get3A_17] : memref<152x8xf32, #tpu.memory_space<vmem>>, vector<152x8xf32>
    %dot_general3A_19 = arith.constant dense<0.000000e+00> : vector<3000x8xf32>
    %dot_general3A_20 = tpu.matmul %convert_element_type3A_15, %get3A_18, %dot_general3A_19 {dimension_numbers = #tpu.dot_dimension_numbers<[1], [0], [0], [1], [0, 0, 1, 1], [], []>, transpose_lhs_hint = false} : vector<3000x152xf32>, vector<152x8xf32>, vector<3000x8xf32> -> vector<3000x8xf32>
    %get3A_21 = arith.constant 0 : index
    %get3A_22 = arith.constant 0 : index
    %get3A_23 = vector.load %arg6[%get3A_21, %get3A_22] : memref<8x32xf32, #tpu.memory_space<vmem>>, vector<8x32xf32>
    %dot_general3A_24 = arith.constant dense<0.000000e+00> : vector<3000x32xf32>
    %dot_general3A_25 = tpu.matmul %dot_general3A_7, %get3A_23, %dot_general3A_24 {dimension_numbers = #tpu.dot_dimension_numbers<[1], [0], [0], [1], [0, 0, 1, 1], [], []>, transpose_lhs_hint = false} : vector<3000x8xf32>, vector<8x32xf32>, vector<3000x32xf32> -> vector<3000x32xf32>
    %get3A_26 = arith.constant 0 : index
    %get3A_27 = arith.constant 0 : index
    %get3A_28 = vector.load %arg7[%get3A_26, %get3A_27] : memref<8x32xf32, #tpu.memory_space<vmem>>, vector<8x32xf32>
    %dot_general3A_29 = arith.constant dense<0.000000e+00> : vector<3000x32xf32>
    %dot_general3A_30 = tpu.matmul %dot_general3A_20, %get3A_28, %dot_general3A_29 {dimension_numbers = #tpu.dot_dimension_numbers<[1], [0], [0], [1], [0, 0, 1, 1], [], []>, transpose_lhs_hint = false} : vector<3000x8xf32>, vector<8x32xf32>, vector<3000x32xf32> -> vector<3000x32xf32>
    %add3A = arith.addf %dot_general3A_25, %dot_general3A_30 : vector<3000x32xf32>
    %get3A_31 = arith.constant 0 : index
    %get3A_32 = arith.constant 0 : index
    %get3A_33 = vector.load %arg3[%get3A_31, %get3A_32] : memref<3000x1xf32, #tpu.memory_space<vmem>>, vector<3000x1xf32>
    %get3A_34 = arith.constant 0 : index
    %get3A_35 = arith.constant 0 : index
    %get3A_36 = vector.load %arg8[%get3A_34, %get3A_35] : memref<1x32xf32, #tpu.memory_space<vmem>>, vector<1x32xf32>
    %mul3A = vector.broadcast %get3A_33 : vector<3000x1xf32> to vector<3000x32xf32>
    %mul3A_37 = vector.broadcast %get3A_36 : vector<1x32xf32> to vector<3000x32xf32>
    %mul3A_38 = arith.mulf %mul3A, %mul3A_37 : vector<3000x32xf32>
    %add3A_39 = arith.addf %add3A, %mul3A_38 : vector<3000x32xf32>
    %get3A_40 = arith.constant 0 : index
    %get3A_41 = arith.constant 0 : index
    %get3A_42 = vector.load %arg9[%get3A_40, %get3A_41] : memref<1x32xf32, #tpu.memory_space<vmem>>, vector<1x32xf32>
    %add3A_43 = vector.broadcast %get3A_42 : vector<1x32xf32> to vector<3000x32xf32>
    %add3A_44 = arith.addf %add3A_39, %add3A_43 : vector<3000x32xf32>
    %max3A = arith.constant 0.000000e+00 : f32
    %max3A_45 = vector.broadcast %max3A : f32 to vector<3000x32xf32>
    %max3A_46 = arith.maximumf %add3A_44, %max3A_45 : vector<3000x32xf32>
    %get3A_47 = arith.constant 0 : index
    %get3A_48 = arith.constant 0 : index
    %get3A_49 = vector.load %arg10[%get3A_47, %get3A_48] : memref<1x32xf32, #tpu.memory_space<vmem>>, vector<1x32xf32>
    %get3A_50 = arith.constant 0 : index
    %get3A_51 = arith.constant 0 : index
    %get3A_52 = vector.load %arg11[%get3A_50, %get3A_51] : memref<1x32xf32, #tpu.memory_space<vmem>>, vector<1x32xf32>
    %reduce_sum3A = arith.constant dense<0.000000e+00> : vector<3000xf32>
    %reduce_sum3A_53 = vector.multi_reduction <add>, %max3A_46, %reduce_sum3A [1] : vector<3000x32xf32> to vector<3000xf32>
    %broadcast_in_dim3A = vector.shape_cast %reduce_sum3A_53 : vector<3000xf32> to vector<3000x1xf32>
    %div3A = arith.constant 3.200000e+01 : f32
    %div3A_54 = vector.broadcast %div3A : f32 to vector<3000x1xf32>
    %div3A_55 = arith.divf %broadcast_in_dim3A, %div3A_54 : vector<3000x1xf32>
    %sub3A = vector.broadcast %div3A_55 : vector<3000x1xf32> to vector<3000x32xf32>
    %sub3A_56 = arith.subf %max3A_46, %sub3A : vector<3000x32xf32>
    %mul3A_57 = arith.mulf %sub3A_56, %sub3A_56 : vector<3000x32xf32>
    %reduce_sum3A_58 = arith.constant dense<0.000000e+00> : vector<3000xf32>
    %reduce_sum3A_59 = vector.multi_reduction <add>, %mul3A_57, %reduce_sum3A_58 [1] : vector<3000x32xf32> to vector<3000xf32>
    %broadcast_in_dim3A_60 = vector.shape_cast %reduce_sum3A_59 : vector<3000xf32> to vector<3000x1xf32>
    %div3A_61 = arith.constant 3.200000e+01 : f32
    %div3A_62 = vector.broadcast %div3A_61 : f32 to vector<3000x1xf32>
    %div3A_63 = arith.divf %broadcast_in_dim3A_60, %div3A_62 : vector<3000x1xf32>
    %add3A_64 = arith.constant 9.99999974E-6 : f32
    %add3A_65 = vector.broadcast %add3A_64 : f32 to vector<3000x1xf32>
    %add3A_66 = arith.addf %div3A_63, %add3A_65 : vector<3000x1xf32>
    %sqrt3A = math.sqrt %add3A_66 : vector<3000x1xf32>
    %div3A_67 = vector.broadcast %sqrt3A : vector<3000x1xf32> to vector<3000x32xf32>
    %div3A_68 = arith.divf %sub3A_56, %div3A_67 : vector<3000x32xf32>
    %mul3A_69 = vector.broadcast %get3A_49 : vector<1x32xf32> to vector<3000x32xf32>
    %mul3A_70 = arith.mulf %div3A_68, %mul3A_69 : vector<3000x32xf32>
    %add3A_71 = vector.broadcast %get3A_52 : vector<1x32xf32> to vector<3000x32xf32>
    %add3A_72 = arith.addf %mul3A_70, %add3A_71 : vector<3000x32xf32>
    %swap3A = arith.constant 0 : index
    %swap3A_73 = arith.constant 0 : index
    %swap3A_74 = vector.load %arg12[%swap3A, %swap3A_73] : memref<3000x32xf32, #tpu.memory_space<vmem>>, vector<3000x32xf32>
    tpu.vector_store %arg12[%swap3A, %swap3A_73], %add3A_72 {strides = array<i32>} : memref<3000x32xf32, #tpu.memory_space<vmem>>, vector<3000x32xf32>,
    return
  }
  func.func @transform_0(%arg0: i32) -> (i32, i32) {
    %c0_i32 = arith.constant 0 : i32
    %c0_i32_0 = arith.constant 0 : i32
    return %arg0, %c0_i32 : i32, i32
  }
  func.func @transform_1(%arg0: i32) -> (i32, i32) {
    %c0_i32 = arith.constant 0 : i32
    %c0_i32_0 = arith.constant 0 : i32
    return %arg0, %c0_i32 : i32, i32
  }
  func.func @transform_2(%arg0: i32) -> (i32, i32) {
    %c0_i32 = arith.constant 0 : i32
    %c0_i32_0 = arith.constant 0 : i32
    return %arg0, %c0_i32 : i32, i32
  }
  func.func @transform_3(%arg0: i32) -> (i32, i32) {
    %c0_i32 = arith.constant 0 : i32
    %c0_i32_0 = arith.constant 0 : i32
    %c0_i32_1 = arith.constant 0 : i32
    return %c0_i32, %c0_i32_0 : i32, i32
  }
  func.func @transform_4(%arg0: i32) -> (i32, i32) {
    %c0_i32 = arith.constant 0 : i32
    %c0_i32_0 = arith.constant 0 : i32
    %c0_i32_1 = arith.constant 0 : i32
    return %c0_i32, %c0_i32_0 : i32, i32
  }
  func.func @transform_5(%arg0: i32) -> (i32, i32) {
    %c0_i32 = arith.constant 0 : i32
    %c0_i32_0 = arith.constant 0 : i32
    %c0_i32_1 = arith.constant 0 : i32
    return %c0_i32, %c0_i32_0 : i32, i32
  }
  func.func @transform_6(%arg0: i32) -> (i32, i32) {
    %c0_i32 = arith.constant 0 : i32
    %c0_i32_0 = arith.constant 0 : i32
    %c0_i32_1 = arith.constant 0 : i32
    return %c0_i32, %c0_i32_0 : i32, i32
  }
  func.func @transform_7(%arg0: i32) -> (i32, i32) {
    %c0_i32 = arith.constant 0 : i32
    %c0_i32_0 = arith.constant 0 : i32
    %c0_i32_1 = arith.constant 0 : i32
    return %c0_i32, %c0_i32_0 : i32, i32
  }
  func.func @transform_8(%arg0: i32) -> (i32, i32) {
    %c0_i32 = arith.constant 0 : i32
    %c0_i32_0 = arith.constant 0 : i32
    %c0_i32_1 = arith.constant 0 : i32
    return %c0_i32, %c0_i32_0 : i32, i32
  }
  func.func @transform_9(%arg0: i32) -> (i32, i32) {
    %c0_i32 = arith.constant 0 : i32
    %c0_i32_0 = arith.constant 0 : i32
    %c0_i32_1 = arith.constant 0 : i32
    return %c0_i32, %c0_i32_0 : i32, i32
  }
  func.func @transform_10(%arg0: i32) -> (i32, i32) {
    %c0_i32 = arith.constant 0 : i32
    %c0_i32_0 = arith.constant 0 : i32
    %c0_i32_1 = arith.constant 0 : i32
    return %c0_i32, %c0_i32_0 : i32, i32
  }
  func.func @transform_11(%arg0: i32) -> (i32, i32) {
    %c0_i32 = arith.constant 0 : i32
    %c0_i32_0 = arith.constant 0 : i32
    return %arg0, %c0_i32 : i32, i32
  }
}

module attributes {stable_mosaic.version = 14 : i64} {
  func.func @_dense_body(%arg0: i32, %arg1: memref<4000x32xf32, #tpu.memory_space<vmem>>, %arg2: memref<4000x32xf32, #tpu.memory_space<vmem>>, %arg3: memref<32x32xf32, #tpu.memory_space<vmem>>, %arg4: memref<1x32xf32, #tpu.memory_space<vmem>>, %arg5: memref<32x32xf32, #tpu.memory_space<vmem>>, %arg6: memref<4000x32xf32, #tpu.memory_space<vmem>>) attributes {dimension_semantics = [#tpu.dimension_semantics<arbitrary>], iteration_bounds = array<i64: 25>, scalar_prefetch = 0 : i64, scratch_operands = 0 : i64, tpu.core_type = #tpu.core_type<tc>, window_params = [{transform_indices = @transform_0, window_bounds = array<i64: 4000, 32>}, {transform_indices = @transform_1, window_bounds = array<i64: 4000, 32>}, {pipeline_mode = #tpu.pipeline_mode<synchronous>, transform_indices = @transform_2, window_bounds = array<i64: 32, 32>}, {pipeline_mode = #tpu.pipeline_mode<synchronous>, transform_indices = @transform_3, window_bounds = array<i64: 1, 32>}, {pipeline_mode = #tpu.pipeline_mode<synchronous>, transform_indices = @transform_4, window_bounds = array<i64: 32, 32>}, {transform_indices = @transform_5, window_bounds = array<i64: 4000, 32>}]} {
    %get3A = arith.constant 0 : index
    %get3A_0 = arith.constant 0 : index
    %get3A_1 = vector.load %arg1[%get3A, %get3A_0] : memref<4000x32xf32, #tpu.memory_space<vmem>>, vector<4000x32xf32>
    %get3A_2 = arith.constant 0 : index
    %get3A_3 = arith.constant 0 : index
    %get3A_4 = vector.load %arg3[%get3A_2, %get3A_3] : memref<32x32xf32, #tpu.memory_space<vmem>>, vector<32x32xf32>
    %dot_general3A = arith.constant dense<0.000000e+00> : vector<4000x32xf32>
    %dot_general3A_5 = tpu.matmul %get3A_1, %get3A_4, %dot_general3A {dimension_numbers = #tpu.dot_dimension_numbers<[1], [0], [0], [1], [0, 0, 1, 1], [], []>, transpose_lhs_hint = false} : vector<4000x32xf32>, vector<32x32xf32>, vector<4000x32xf32> -> vector<4000x32xf32>
    %get3A_6 = arith.constant 0 : index
    %get3A_7 = arith.constant 0 : index
    %get3A_8 = vector.load %arg2[%get3A_6, %get3A_7] : memref<4000x32xf32, #tpu.memory_space<vmem>>, vector<4000x32xf32>
    %get3A_9 = arith.constant 0 : index
    %get3A_10 = arith.constant 0 : index
    %get3A_11 = vector.load %arg5[%get3A_9, %get3A_10] : memref<32x32xf32, #tpu.memory_space<vmem>>, vector<32x32xf32>
    %dot_general3A_12 = arith.constant dense<0.000000e+00> : vector<4000x32xf32>
    %dot_general3A_13 = tpu.matmul %get3A_8, %get3A_11, %dot_general3A_12 {dimension_numbers = #tpu.dot_dimension_numbers<[1], [0], [0], [1], [0, 0, 1, 1], [], []>, transpose_lhs_hint = false} : vector<4000x32xf32>, vector<32x32xf32>, vector<4000x32xf32> -> vector<4000x32xf32>
    %add3A = arith.addf %dot_general3A_5, %dot_general3A_13 : vector<4000x32xf32>
    %get3A_14 = arith.constant 0 : index
    %get3A_15 = arith.constant 0 : index
    %get3A_16 = vector.load %arg4[%get3A_14, %get3A_15] : memref<1x32xf32, #tpu.memory_space<vmem>>, vector<1x32xf32>
    %add3A_17 = vector.broadcast %get3A_16 : vector<1x32xf32> to vector<4000x32xf32>
    %add3A_18 = arith.addf %add3A, %add3A_17 : vector<4000x32xf32>
    %max3A = arith.constant 0.000000e+00 : f32
    %max3A_19 = vector.broadcast %max3A : f32 to vector<4000x32xf32>
    %max3A_20 = arith.maximumf %add3A_18, %max3A_19 : vector<4000x32xf32>
    %swap3A = arith.constant 0 : index
    %swap3A_21 = arith.constant 0 : index
    %swap3A_22 = vector.load %arg6[%swap3A, %swap3A_21] : memref<4000x32xf32, #tpu.memory_space<vmem>>, vector<4000x32xf32>
    tpu.vector_store %arg6[%swap3A, %swap3A_21], %max3A_20 {strides = array<i32>} : memref<4000x32xf32, #tpu.memory_space<vmem>>, vector<4000x32xf32>,
    return
  }
  func.func @transform_0(%arg0: i32) -> (i32, i32) {
    %c0_i32 = arith.constant 0 : i32
    %c0_i32_0 = arith.constant 0 : i32
    return %arg0, %c0_i32 : i32, i32
  }
  func.func @transform_1(%arg0: i32) -> (i32, i32) {
    %c0_i32 = arith.constant 0 : i32
    %c0_i32_0 = arith.constant 0 : i32
    return %arg0, %c0_i32 : i32, i32
  }
  func.func @transform_2(%arg0: i32) -> (i32, i32) {
    %c0_i32 = arith.constant 0 : i32
    %c0_i32_0 = arith.constant 0 : i32
    %c0_i32_1 = arith.constant 0 : i32
    return %c0_i32, %c0_i32_0 : i32, i32
  }
  func.func @transform_3(%arg0: i32) -> (i32, i32) {
    %c0_i32 = arith.constant 0 : i32
    %c0_i32_0 = arith.constant 0 : i32
    %c0_i32_1 = arith.constant 0 : i32
    return %c0_i32, %c0_i32_0 : i32, i32
  }
  func.func @transform_4(%arg0: i32) -> (i32, i32) {
    %c0_i32 = arith.constant 0 : i32
    %c0_i32_0 = arith.constant 0 : i32
    %c0_i32_1 = arith.constant 0 : i32
    return %c0_i32, %c0_i32_0 : i32, i32
  }
  func.func @transform_5(%arg0: i32) -> (i32, i32) {
    %c0_i32 = arith.constant 0 : i32
    %c0_i32_0 = arith.constant 0 : i32
    return %arg0, %c0_i32 : i32, i32
  }
}

module attributes {stable_mosaic.version = 14 : i64} {
  func.func @_dense_body(%arg0: i32, %arg1: memref<4000x32xf32, #tpu.memory_space<vmem>>, %arg2: memref<4000x32xf32, #tpu.memory_space<vmem>>, %arg3: memref<32x32xf32, #tpu.memory_space<vmem>>, %arg4: memref<1x32xf32, #tpu.memory_space<vmem>>, %arg5: memref<32x32xf32, #tpu.memory_space<vmem>>, %arg6: memref<4000x32xf32, #tpu.memory_space<vmem>>) attributes {dimension_semantics = [#tpu.dimension_semantics<arbitrary>], iteration_bounds = array<i64: 25>, scalar_prefetch = 0 : i64, scratch_operands = 0 : i64, tpu.core_type = #tpu.core_type<tc>, window_params = [{transform_indices = @transform_0, window_bounds = array<i64: 4000, 32>}, {transform_indices = @transform_1, window_bounds = array<i64: 4000, 32>}, {pipeline_mode = #tpu.pipeline_mode<synchronous>, transform_indices = @transform_2, window_bounds = array<i64: 32, 32>}, {pipeline_mode = #tpu.pipeline_mode<synchronous>, transform_indices = @transform_3, window_bounds = array<i64: 1, 32>}, {pipeline_mode = #tpu.pipeline_mode<synchronous>, transform_indices = @transform_4, window_bounds = array<i64: 32, 32>}, {transform_indices = @transform_5, window_bounds = array<i64: 4000, 32>}]} {
    %get3A = arith.constant 0 : index
    %get3A_0 = arith.constant 0 : index
    %get3A_1 = vector.load %arg1[%get3A, %get3A_0] : memref<4000x32xf32, #tpu.memory_space<vmem>>, vector<4000x32xf32>
    %get3A_2 = arith.constant 0 : index
    %get3A_3 = arith.constant 0 : index
    %get3A_4 = vector.load %arg3[%get3A_2, %get3A_3] : memref<32x32xf32, #tpu.memory_space<vmem>>, vector<32x32xf32>
    %dot_general3A = arith.constant dense<0.000000e+00> : vector<4000x32xf32>
    %dot_general3A_5 = tpu.matmul %get3A_1, %get3A_4, %dot_general3A {dimension_numbers = #tpu.dot_dimension_numbers<[1], [0], [0], [1], [0, 0, 1, 1], [], []>, transpose_lhs_hint = false} : vector<4000x32xf32>, vector<32x32xf32>, vector<4000x32xf32> -> vector<4000x32xf32>
    %get3A_6 = arith.constant 0 : index
    %get3A_7 = arith.constant 0 : index
    %get3A_8 = vector.load %arg2[%get3A_6, %get3A_7] : memref<4000x32xf32, #tpu.memory_space<vmem>>, vector<4000x32xf32>
    %get3A_9 = arith.constant 0 : index
    %get3A_10 = arith.constant 0 : index
    %get3A_11 = vector.load %arg5[%get3A_9, %get3A_10] : memref<32x32xf32, #tpu.memory_space<vmem>>, vector<32x32xf32>
    %dot_general3A_12 = arith.constant dense<0.000000e+00> : vector<4000x32xf32>
    %dot_general3A_13 = tpu.matmul %get3A_8, %get3A_11, %dot_general3A_12 {dimension_numbers = #tpu.dot_dimension_numbers<[1], [0], [0], [1], [0, 0, 1, 1], [], []>, transpose_lhs_hint = false} : vector<4000x32xf32>, vector<32x32xf32>, vector<4000x32xf32> -> vector<4000x32xf32>
    %add3A = arith.addf %dot_general3A_5, %dot_general3A_13 : vector<4000x32xf32>
    %get3A_14 = arith.constant 0 : index
    %get3A_15 = arith.constant 0 : index
    %get3A_16 = vector.load %arg4[%get3A_14, %get3A_15] : memref<1x32xf32, #tpu.memory_space<vmem>>, vector<1x32xf32>
    %add3A_17 = vector.broadcast %get3A_16 : vector<1x32xf32> to vector<4000x32xf32>
    %add3A_18 = arith.addf %add3A, %add3A_17 : vector<4000x32xf32>
    %swap3A = arith.constant 0 : index
    %swap3A_19 = arith.constant 0 : index
    %swap3A_20 = vector.load %arg6[%swap3A, %swap3A_19] : memref<4000x32xf32, #tpu.memory_space<vmem>>, vector<4000x32xf32>
    tpu.vector_store %arg6[%swap3A, %swap3A_19], %add3A_18 {strides = array<i32>} : memref<4000x32xf32, #tpu.memory_space<vmem>>, vector<4000x32xf32>,
    return
  }
  func.func @transform_0(%arg0: i32) -> (i32, i32) {
    %c0_i32 = arith.constant 0 : i32
    %c0_i32_0 = arith.constant 0 : i32
    return %arg0, %c0_i32 : i32, i32
  }
  func.func @transform_1(%arg0: i32) -> (i32, i32) {
    %c0_i32 = arith.constant 0 : i32
    %c0_i32_0 = arith.constant 0 : i32
    return %arg0, %c0_i32 : i32, i32
  }
  func.func @transform_2(%arg0: i32) -> (i32, i32) {
    %c0_i32 = arith.constant 0 : i32
    %c0_i32_0 = arith.constant 0 : i32
    %c0_i32_1 = arith.constant 0 : i32
    return %c0_i32, %c0_i32_0 : i32, i32
  }
  func.func @transform_3(%arg0: i32) -> (i32, i32) {
    %c0_i32 = arith.constant 0 : i32
    %c0_i32_0 = arith.constant 0 : i32
    %c0_i32_1 = arith.constant 0 : i32
    return %c0_i32, %c0_i32_0 : i32, i32
  }
  func.func @transform_4(%arg0: i32) -> (i32, i32) {
    %c0_i32 = arith.constant 0 : i32
    %c0_i32_0 = arith.constant 0 : i32
    %c0_i32_1 = arith.constant 0 : i32
    return %c0_i32, %c0_i32_0 : i32, i32
  }
  func.func @transform_5(%arg0: i32) -> (i32, i32) {
    %c0_i32 = arith.constant 0 : i32
    %c0_i32_0 = arith.constant 0 : i32
    return %arg0, %c0_i32 : i32, i32
  }
}

</mosaic_0001>

<sc_bundles>
// kernel: kernel.12.cloned.1.call-start
scs
__scs_entry_jumppad:
0x0: {  	(pc) =	sbr.rel $0x88, $3  }
0x1: {  	(tag) =	ssettag $0x0;
	lr =	simm.s32 $0x1  }
0x2: {  	[smem:$0x3F8A] =	sst lr;
	_ =	strace $0xD0000000  }
0x3: {  	_ = 	snop  }
0x4: {  	_ = 	snop  }
0x5: {  	_ = 	snop  }
0x6: {  	_ = 	snop  }
0x7: {  	_ = 	snop  }
__scs_overlays_trampoline_lowered:
0x8: {  	[smem:$0x3F99] =	sst s0  }
0x9: {  	[smem:$0x3F9A] =	sst s1  }
0xa: {  	[smem:$0x3F9B] =	sst s2  }
0xb: {  	[smem:$0x3F9C] =	sst s3  }
0xc: {  	[smem:$0x3F9D] =	sst s4  }
0xd: {  	[smem:$0x3F9E] =	sst s5  }
0xe: {  	[smem:$0x3F9F] =	sst s6  }
0xf: {  	[smem:$0x3FA0] =	sst s7  }
0x10: {  	[smem:$0x3FA1] =	sst s8  }
0x11: {  	[smem:$0x3FA2] =	sst s9;
	s0 =	simm.s32 @!p0 $0x0  }
0x12: {  	s1 =	sld [smem:$0x3F88];
	s0 =	simm.s32 @p0 $0x1  }
0x13: {  	[smem:$0x3FA3] =	sst s0;
	s0 =	simm.s32 @!p1 $0x0  }
0x14: {  	s2 =	sld [smem:$0x3F87];
	s0 =	simm.s32 @p1 $0x1  }
0x15: {  	[smem:$0x3FA4] =	sst s0;
	s0 =	simm.s32 @!p2 $0x0  }
0x16: {  	s3 =	sld [smem:$0x3FDB];
	s0 =	simm.s32 @p2 $0x1  }
0x17: {  	s4 =	simm.s32 $0x1BF5;
	[smem:$0x3FA6] =	sst s0  }
0x18: {  	s0 =	sld [smem:$0x3F89];
	_ =	swait.ge [sflag:s4], $0x0  }
0x19: {  	s7 =	sld [smem:$0x3F8A]  }
0x1a: {  	s8 =	sadd.s32 $0xFFFFE003, lr  }
0x1b: {  	s9 =	sadd.s32 $0xFFFFFEF7, lr;
	s5 =	simm.s32 $0xFFFFFFFF;
	p2 =	slt.u32 s8, $0xFFFFF086  }
0x1c: {  	p1 =	slt.u32 s9, $0xF7A;
	s5 =	simm.s32 @!p2 $0x0  }
0x1d: {  	s5 =	simm.s32 @p1 $0x1;
	p0 =	seq.s32 s7, s2  }
0x1e: {  	s7 =	smul.u32 @!p0 $0xF7A, s2;
	p2 =	seq.s32 @!p0 s5, $0x0  }
0x1f: {  	s9 =	smul.u32 $0xF7A, s1;
	s8 =	simm.s32 @!p0 $0x1BF5;
	p2 =	por !p2, p0  }
0x20: {  	[sflag:s8] =	ssyncset.s32 @!p0 $0xFFFFF086;
	s6 =	sadd.s32 @!p0 s3, s7;
	s7 =	simm.s32 @!p0 $0x108  }
0x21: {  	s3 =	sadd.s32 s3, s9;
	s6 =	sadd.s32 @!p0 $0x88, s6;
	s7 =	simm.s32 @p2 $0x1082  }
0x22: {  	[simem:s7], [sflag:s8] =	dma.local @!p0 [hbm:s6], $0xF7A  }
0x23: {  	s9 =	sor.u32 $0xD0000000, s2;
	s6 =	simm.s32 $0x108;
	_ =	swait.ge @!p0 [sflag:s8], $0x0  }
0x24: {  	s3 =	sadd.s32 $0x88, s3;
	s6 =	simm.s32 @!p1 $0x1082;
	[sflag:s4] =	ssyncset.s32 $0xFFFFF086  }
0x25: {  	[simem:s6], [sflag:s4] =	dma.local [hbm:s3], $0xF7A  }
0x26: {  	[smem:$0x3F8A] =	sst s1;
	(tag) =	ssettag s2;
	_ =	strace s9  }
0x27: {  	s1 =	sld [smem:$0x3F9A]  }
0x28: {  	s2 =	sld [smem:$0x3F9B]  }
0x29: {  	s4 =	sld [smem:$0x3F9D]  }
0x2a: {  	p0 =	seq.s32 s5, $0x0;
	s5 =	sld [smem:$0x3F9E]  }
0x2b: {  	s6 =	sld [smem:$0x3F9F]  }
0x2c: {  	s7 =	sld [smem:$0x3FA0]  }
0x2d: {  	s3 =	simm.s32 $0x108;
	s8 =	sld [smem:$0x3FA1]  }
0x2e: {  	s3 =	simm.s32 @!p0 $0x1082;
	s9 =	sld [smem:$0x3FA2]  }
0x2f: {  	lr =	sadd.s32 s0, s3;
	s0 =	sld [smem:$0x3F99]  }
0x30: {  	s3 =	sld [smem:$0x3F9C]  }
0x31: {  	[smem:$0x3FA5] =	sst s10  }
0x32: {  	s10 =	sld [smem:$0x3FA3];
	_ =	sdelay $0x3  }
0x33: {  	p0 =	seq.s32 s10, $0x1;
	s10 =	sld [smem:$0x3FA5];
	_ =	sdelay $0x3  }
0x34: {  	[smem:$0x3FA5] =	sst s10  }
0x35: {  	s10 =	sld [smem:$0x3FA4];
	_ =	sdelay $0x3  }
0x36: {  	p1 =	seq.s32 s10, $0x1;
	s10 =	sld [smem:$0x3FA5];
	_ =	sdelay $0x3  }
0x37: {  	[smem:$0x3FA5] =	sst s10  }
0x38: {  	s10 =	sld [smem:$0x3FA6]  }
0x39: {  	_ = 	snop;
	(pc) =	sbr.ind lr, $3  }
0x3a: {  	_ = 	snop  }
0x3b: {  	_ = 	snop  }
0x3c: {  	p2 =	seq.s32 s10, $0x1;
	s10 =	sld [smem:$0x3FA5]  }
0x3d: {  	_ =	shalt  }
0x3e: {  	_ =	shalt  }
0x3f: {  	_ =	shalt  }
0x40: {  	_ =	shalt  }
0x41: {  	_ =	shalt  }
0x42: {  	_ =	shalt  }
0x43: {  	_ =	shalt  }
0x44: {  	_ =	shalt  }
0x45: {  	_ =	shalt  }
0x46: {  	_ =	shalt  }
0x47: {  	_ =	shalt  }
0x48: {  	_ =	shalt  }
0x49: {  	_ =	shalt  }
0x4a: {  	_ =	shalt  }
0x4b: {  	_ =	shalt  }
0x4c: {  	_ =	shalt  }
0x4d: {  	_ =	shalt  }
0x4e: {  	_ =	shalt  }
0x4f: {  	_ =	shalt  }
0x50: {  	_ =	shalt  }
0x51: {  	_ =	shalt  }
0x52: {  	_ =	shalt  }
0x53: {  	_ =	shalt  }
0x54: {  	_ =	shalt  }
0x55: {  	_ =	shalt  }
0x56: {  	_ =	shalt  }
0x57: {  	_ =	shalt  }
0x58: {  	_ =	shalt  }
0x59: {  	_ =	shalt  }
0x5a: {  	_ =	shalt  }
0x5b: {  	_ =	shalt  }
0x5c: {  	_ =	shalt  }
0x5d: {  	_ =	shalt  }
0x5e: {  	_ =	shalt  }
0x5f: {  	_ =	shalt  }
0x60: {  	_ =	shalt  }
0x61: {  	_ =	shalt  }
0x62: {  	_ =	shalt  }
0x63: {  	_ =	shalt  }
0x64: {  	_ =	shalt  }
0x65: {  	_ =	shalt  }
0x66: {  	_ =	shalt  }
0x67: {  	_ =	shalt  }
0x68: {  	_ =	shalt  }
0x69: {  	_ =	shalt  }
0x6a: {  	_ =	shalt  }
0x6b: {  	_ =	shalt  }
0x6c: {  	_ =	shalt  }
0x6d: {  	_ =	shalt  }
0x6e: {  	_ =	shalt  }
0x6f: {  	_ =	shalt  }
0x70: {  	_ =	shalt  }
0x71: {  	_ =	shalt  }
0x72: {  	_ =	shalt  }
0x73: {  	_ =	shalt  }
0x74: {  	_ =	shalt  }
0x75: {  	_ =	shalt  }
0x76: {  	_ =	shalt  }
0x77: {  	_ =	shalt  }
0x78: {  	_ =	shalt  }
0x79: {  	_ =	shalt  }
0x7a: {  	_ =	shalt  }
0x7b: {  	_ =	shalt  }
0x7c: {  	_ =	shalt  }
0x7d: {  	_ =	shalt  }
0x7e: {  	_ =	shalt  }
0x7f: {  	_ =	shalt  }
0x80: {  	_ =	shalt  }
0x81: {  	_ =	shalt  }
0x82: {  	_ =	shalt  }
0x83: {  	_ =	shalt  }
0x84: {  	_ =	shalt  }
0x85: {  	_ =	shalt  }
0x86: {  	_ =	shalt  }
0x87: {  	_ =	shalt  }
.Lfunc_end0:
.L_simem_size_0:
called_computation.1_lowered:
.L_overlay_start_0:
0x88: {  	s2 =	sld [smem:$0x3FD9]  }
0x89: {  	s3 =	sld [smem:$0x3FFE];
	_ =	sdelay $0x1  }
0x8a: {  	s1 =	srdreg.scid  }
0x8b: {  	s0 =	sand.u32 $0x1, s1  }
0x8c: {  	s17 =	sshll.u32 s0, $0xA;
	s2 =	sadd.s32 s3, s2  }
0x8d: {  	s2 =	sadd.s32 s2, s17  }
0x8e: {  	[smem:$0x3FB1] =	sst s2  }
0x8f: {  	_ = 	snop  }
0x90: {  	s2 =	sld [smem:$0x3FD0];
	(tm) =	ssettm $0x1  }
0x91: {  	s18 =	sld [smem:$0x3FFB];
	_ =	sdelay $0x3  }
0x92: {  	_ =	strace s18  }
0x93: {  	s3 =	sld [smem:$0x3FFC];
	_ =	sdelay $0x3  }
0x94: {  	_ =	strace s3  }
0x95: {  	s3 =	sld [smem:$0x3FFD];
	_ =	sdelay $0x3  }
0x96: {  	_ =	strace s3  }
0x97: {  	_ =	strace $0x8FFFFFFF  }
0x98: {  	s19 =	sld [smem:$0x3FDB];
	_ =	sdelay $0x1  }
0x99: {  	s4 =	simm.s32 $_scs_section_size  }
0x9a: {  	s5 =	simm.s32 $_size__tile_overlayer_lowered;
	s6 =	simm.s32 $_tile_overlayer_lowered  }
0x9b: {  	s22 =	simm.s32 $0x1BFF;
	s21 =	sshll.u32 s6, $0x1;
	s3 =	sadd.s32 s4, s19  }
0x9c: {  	s7 =	simm.s32 $0x0;
	s20 =	sshll.u32 s5, $0x1;
	s5 =	sadd.s32 s21, s3  }
0x9d: {  	[timem:s7], [sflag:s22] =	dma.local [hbm:s5], s20  }
0x9e: {  	_ =	swait.ge [sflag:s22], s20  }
0x9f: {  	s4 =	ssub.s32 $0x0, s20;
	[sflag:s22] =	ssyncset.done $0x0  }
0xa0: {  	[sflag:s22] =	ssyncadd.s32 s4;
	_ =	sdelay $0x1  }
0xa1: {  	s23 =	simm.s32 $0x1B8B  }
0xa2: {  	_ =	swait.ge [sflag:s23], $0x1  }
0xa3: {  	[sflag:s23] =	ssyncset.done $0x0  }
0xa4: {  	s25 =	simm.s32 $0x1B8E;
	s24 =	sld [smem:$0x3FFE];
	[sflag:s23] =	ssyncadd.s32 $0xFFFFFFFF  }
0xa5: {  	s26 =	simm.s32 $execute0_lowered;
	[smem:$0x3FD2] =	sst s25  }
0xa6: {  	s5 =	sshll.u32 s26, $0x1;
	_ =	strace $0x80000049;
	[dreg:$0x1] =	wrdreg $0xFFFFFFFF  }
0xa7: {  	s28 =	simm.s32 $_size_execute0_lowered;
	s3 =	sadd.s32 s3, s5;
	[dreg:$0x0] =	wrdreg $0x0  }
0xa8: {  	s5 =	sshll.u32 s28, $0x1;
	[dreg:$0x2] =	wrdreg s3  }
0xa9: {  	[dreg:$0x3] =	wrdreg s5  }
0xaa: {  	[dreg:$0x4] =	wrdreg $0xC0  }
0xab: {  	_ =	task [dreg:s7], $0x5FFFF  }
0xac: {  	[dreg:$0x1] =	wrdreg $0xFFFFFFFF  }
0xad: {  	[dreg:$0x0] =	wrdreg $0x60  }
0xae: {  	[dreg:$0x2] =	wrdreg s2  }
0xaf: {  	[dreg:$0x3] =	wrdreg s24  }
0xb0: {  	[dreg:$0x4] =	wrdreg $0x0  }
0xb1: {  	[dreg:$0x5] =	wrdreg $0x9  }
0xb2: {  	_ =	task.clear_ibuf [dreg:s7], $0x6FFFF;
	_ =	strace $0x90000049  }
0xb3: {  	s29 =	simm.s32 $0x9;
	_ =	strace $0x8000004B  }
0xb4: {  	_ =	swait.ge [sflag:s29], $0x1  }
0xb5: {  	[sflag:s29] =	ssyncadd.s32 $0xFFFFFFFF  }
0xb6: {  	_ =	strace $0x9000004B  }
0xb7: {  	_ =	sfence  }
0xb8: {  	s30 =	sld [smem:$0x0];
	_ =	sdelay $0x2  }
0xb9: {  	s31 =	sshll.u32 s1, $0xD;
	s1 =	sshrl.u32 s1, $0x2  }
0xba: {  	s3 =	sand.u32 $0x4000, s31;
	s1 =	sadd.s32 s1, s30  }
0xbb: {  	s0 =	sor.u32 s3, s0;
	s1 =	sshll.u32 s1, $0x11  }
0xbc: {  	s0 =	sor.u32 s1, s0  }
0xbd: {  	s0 =	sadd.s32 $0x8F2B, s0  }
0xbe: {  	[sflag:s0] =	ssyncadd.remote.s32 $0x1  }
0xbf: {  	_ =	sfence.sel $0xFFFF  }
0xc0: {  	[dreg:$0x0] =	wrdreg $0xFFFFFFFF;
	(pc) =	sbr.abs _section_cstart, $3  }
0xc1: {  	[dreg:$0x1] =	wrdreg $0xFFFFFFFF  }
0xc2: {  	_ =	task.clear_ibuf [dreg:s7], $0x2FFFF;
	_ =	strace $0x9FFFFFFF  }
0xc3: {  	(tm) =	ssettm $0x7FFFFFFF  }
tec
execute0_lowered:
.L_overlay_start_1:
0x0: {  	(tag) =	ssettag $0x1  }
0x1: {  	s1 =	rddreg [dreg:$0x0]  }
0x2: {  	s0 =	rddreg [dreg:$0x1]  }
0x3: {  	s2 =	rddreg [dreg:$0x2];
	s17 =	simm.s32 $0x0;
	s3 =	srdreg.scid  }
0x4: {  	s23 =	stileid.u32;
	s14 =	simm.s32 $0x1D010;
	s15 =	simm.s32 $0x2  }
0x5: {  	s16 =	simm.s32 $0x18800;
	s18 =	simm.s32 $0x18C00;
	s19 =	simm.s32 $0x80  }
0x6: {  	s20 =	simm.s32 $0x19010;
	s21 =	simm.s32 $0x18880;
	s24 =	simm.s32 $0x1A010  }
0x7: {  	s28 =	simm.s32 $0x18980;
	s29 =	simm.s32 $0x1C010;
	s30 =	simm.s32 $0x1  }
0x8: {  	s31 =	simm.s32 $0x18E10;
	[smem:$0x7FF] =	sst s17;
	s9 =	smul.u32 $0x62000, s23  }
0x9: {  	s3 =	sand.u32 $0x1, s3;
	s5 =	sadd.s32 $0x34A00, s0;
	s8 =	smul.u32 $0xC8, s23  }
0xa: {  	s6 =	sadd.s32 $0x21D000, s0;
	s7 =	sadd.s32 $0x2A00, s0;
	s12 =	smul.u32 $0xC38, s23  }
0xb: {  	s0 =	sadd.s32 $0x66A00, s0;
	s25 =	sshll.u32 s23, $0x3;
	s13 =	smul.u32 $0x61C00, s23  }
0xc: {  	p0 =	seq.s32 s23, $0xF;
	_ =	strace $0x8000004A;
	s4 =	smul.u32 $0xC350, s3  }
0xd: {  	s10 =	ssub.s32 $0x2, s3;
	s22 =	sadd.s32 $0xC350, s25;
	s3 =	smul.u32 $0x186A00, s3  }
0xe: {  	s25 =	simm.s32 $0x18900;
	s11 =	sshrl.u32 s10, $0x1;
	s9 =	sshrl.u32 s9, $0x2  }
0xf: {  	s13 =	sshrl.u32 s13, $0x2;
	s11 =	ssub.s32 s10, s11;
	s12 =	sadd.s32 s12, s4  }
0x10: {  	s9 =	sadd.s32 s9, s2;
	s3 =	sshrl.u32 s3, $0x3;
	s12 =	sshll.u32 s12, $0x2  }
0x11: {  	s26 =	smax.u32 s11, $0x1;
	s12 =	sadd.s32 s0, s12;
	s0 =	sadd.s32 s0, s3  }
0x12: {  	s10 =	smul.u32 $0x19000, s23;
	[dreg:$0x7] =	wrdreg s26;
	s0 =	sadd.s32 $0x2DD20, s0  }
0x13: {  	v0 =	vmov s4;
	s4 =	simm.s32 $0x18F10;
	[dreg:$0x6] =	wrdreg s0;
	s0 =	sadd.s32 $0x16E900, s2  }
0x14: {  	[dreg:$0x5] =	wrdreg s12;
	s12 =	sadd.s32 s13, s2;
	s0 =	sshrl.u32 @p0 s0, $0x3  }
0x15: {  	s11 =	simm.s32 $0x18F90;
	[dreg:$0x8] =	wrdreg s0;
	s0 =	sshrl.u32 @!p0 s12, $0x3  }
0x16: {  	v2 =	vimm.f32 $0.0e+00;
	v1 =	vmov s22;
	s26 =	simm.s32 $0x1B010;
	[dreg:$0x9] =	wrdreg s0;
	s0 =	simm.s32 $0x18E90  }
.LBB2_1:
0x17: {  	s3 =	simm.s32 $0x0  }
.LBB2_2:
0x18: {  	p1 =	sne.s32 s3, $0x1F80  }
.Ltmp0:
0x19: {  	_ = 	snop;
	(pc) =	sbr.rel @p1 .LBB2_2-.Ltmp0, $4  }
0x1a: {  	_ = 	snop  }
0x1b: {  	s12 =	sshra.s32 s3, $0x2  }
0x1c: {  	[tilespmem:s12+$0x1D010] =	vst v2  }
0x1d: {  	s3 =	sadd.s32 $0x80, s3;
	[tilespmem:s12+$0x1D020] =	vst v2  }
0x1e: {  	[dreg:$0x4] =	wrdreg s17;
	s3 =	sadd.s32 $0x0, s9  }
0x1f: {  	[spmem:s3] =	stream.linear.scatter [tilespmem:s14], [sflag:$0x2], $0x800, $0x38;
	[tilespmem:$0x1D810] =	vst v63  }
0x20: {  	s3 =	simm.s32 $0x2000;
	_ =	swait.ge [sflag:s15], $0x800  }
.LBB2_4:
0x21: {  	s12 =	sshra.s32 s3, $0x2;
	[sflag:s15] =	ssyncset.done $0x0;
	p1 =	sne.s32 s3, $0x60000  }
.Ltmp1:
0x22: {  	s12 =	sadd.s32 s12, s9;
	[sflag:s15] =	ssyncadd.s32 $0xFFFFF800;
	(pc) =	sbr.rel @p1 .LBB2_4-.Ltmp1, $3  }
0x23: {  	[spmem:s12] =	stream.linear.scatter [tilespmem:s14], [sflag:$0x2], $0x800, $0x38;
	[tilespmem:$0x1D810] =	vst v63  }
0x24: {  	s3 =	sadd.s32 $0x2000, s3;
	_ =	sdelay $0x1  }
0x25: {  	_ =	swait.ge [sflag:s15], $0x800  }
0x26: {  	[sflag:s15] =	ssyncset.done $0x0  }
0x27: {  	[sflag:s15] =	ssyncadd.s32 $0xFFFFF800  }
0x28: {  	s12 =	simm.s32 $0x0;
	s13 =	simm.s32 $0x0;
	[bflag:$0x0] =	sbarrier.arrive $0xFFFF  }
.LBB2_6:
0x29: {  	s3 =	sshll.u32 s13, $0x9  }
0x2a: {  	s3 =	sadd.s32 s10, s3  }
0x2b: {  	s3 =	sshrl.u32 s3, $0x3  }
0x2c: {  	s22 =	sadd.s32 s5, s3  }
0x2d: {  	[tilespmem:s16], [sflag:$0x2] =	stream.linear.gather [hbm4b:s22+s12], $0x200, $0x38;
	[tilespmem:$0x1D810] =	vst v63  }
0x2e: {  	_ =	swait.ge [sflag:s15], $0x200  }
0x2f: {  	[sflag:s15] =	ssyncset.done $0x0  }
0x30: {  	s17 =	simm.s32 $0x18A00;
	s3 =	sadd.s32 s6, s3;
	[sflag:s15] =	ssyncadd.s32 $0xFFFFFE00  }
0x31: {  	[tilespmem:s17], [sflag:$0x2] =	stream.linear.gather [hbm4b:s3+s12], $0x200, $0x38;
	[tilespmem:$0x1D810] =	vst v63  }
0x32: {  	s23 =	sadd.s32 s8, s13;
	_ =	swait.ge [sflag:s15], $0x200  }
0x33: {  	s3 =	sshll.u32 s23, $0x6;
	[sflag:s15] =	ssyncset.done $0x0  }
0x34: {  	s3 =	sadd.s32 s7, s3;
	[sflag:s15] =	ssyncadd.s32 $0xFFFFFE00  }
0x35: {  	[tilespmem:s18], [sflag:$0x2] =	stream.linear.gather [hbm4b:s3+s12], $0x200, $0x38;
	[tilespmem:$0x1D810] =	vst v63  }
0x36: {  	_ =	swait.ge [sflag:s15], $0x200  }
0x37: {  	[sflag:s15] =	ssyncset.done $0x0  }
0x38: {  	[sflag:s15] =	ssyncadd.s32 $0xFFFFFE00  }
0x39: {  	[tilespmem:s20], [sflag:$0x1] =	stream.indirect.gather [hbm4b:s1+s19], $0x20, s16, s19, $0xb8;
	[tilespmem:$0x1D810] =	vst v63  }
0x3a: {  	_ = 	snop  }
0x3b: {  	[tilespmem:s24], [sflag:$0x1] =	stream.indirect.gather [hbm4b:s1+s19], $0x20, s21, s19, $0xb8;
	[tilespmem:$0x1D810] =	vst v63  }
0x3c: {  	_ = 	snop  }
0x3d: {  	[tilespmem:s26], [sflag:$0x1] =	stream.indirect.gather [hbm4b:s1+s19], $0x20, s25, s19, $0xb8;
	[tilespmem:$0x1D810] =	vst v63  }
0x3e: {  	_ = 	snop  }
0x3f: {  	[tilespmem:s29], [sflag:$0x1] =	stream.indirect.gather [hbm4b:s1+s19], $0x20, s28, s19, $0xb8;
	[tilespmem:$0x1D810] =	vst v63  }
0x40: {  	_ =	swait.ge [sflag:s30], $0x1000  }
0x41: {  	[sflag:s30] =	ssyncset.done $0x0  }
0x42: {  	[sflag:s30] =	ssyncadd.s32 $0xFFFFF000  }
0x43: {  	_ =	swait.ge [sflag:s30], $0x1000  }
0x44: {  	[sflag:s30] =	ssyncset.done $0x0  }
0x45: {  	[sflag:s30] =	ssyncadd.s32 $0xFFFFF000  }
0x46: {  	_ =	swait.ge [sflag:s30], $0x1000  }
0x47: {  	[sflag:s30] =	ssyncset.done $0x0  }
0x48: {  	[sflag:s30] =	ssyncadd.s32 $0xFFFFF000  }
0x49: {  	_ =	swait.ge [sflag:s30], $0x1000  }
0x4a: {  	[sflag:s30] =	ssyncset.done $0x0  }
0x4b: {  	s3 =	simm.s32 $0x0;
	[sflag:s30] =	ssyncadd.s32 $0xFFFFF000  }
0x4c: {  	s22 =	simm.s32 $0x40;
	v3 =	vld [tilespmem:s3+$0x18A00]  }
.LBB2_7:
0x4d: {  	_ =	sdelay $0x1  }
0x4e: {  	p1 =	sne.s32 s22, $0x7C0  }
.Ltmp2:
0x4f: {  	_ = 	snop;
	(pc) =	sbr.rel @p1 .LBB2_7-.Ltmp2, $4  }
0x50: {  	v4 =	vsub.s32 v3, v0  }
0x51: {  	vm0 =	vlt.u32 v4, $0xC350  }
0x52: {  	s23 =	sshra.s32 s22, $0x2;
	v4 =	vsel vm0, v4, v1  }
0x53: {  	s22 =	sadd.s32 $0x40, s22;
	v3 =	vld [tilespmem:s23+$0x18A00];
	[tilespmem:s3+$0x18E10] =	vst v4;
	s3 =	smov.u32 s23  }
0x54: {  	_ =	sdelay $0x3  }
0x55: {  	v3 =	vsub.s32 v3, v0  }
0x56: {  	vm0 =	vlt.u32 v3, $0xC350  }
0x57: {  	v3 =	vsel vm0, v3, v1  }
0x58: {  	s23 =	simm.s32 $0x0;
	[tilespmem:s3+$0x18E10] =	vst v3  }
0x59: {  	s22 =	simm.s32 $0x19020;
	v3 =	vld.msk [tilespmem:s23+$0x18C00 ss:$0x0], $0xffff  }
0x5a: {  	v5 =	vld [tilespmem:s22+$0x0]  }
0x5b: {  	v4 =	vld [tilespmem:s22+$0xFFFFFFF0]  }
0x5c: {  	s3 =	simm.s32 $0x4;
	s23 =	simm.s32 $0x19020  }
.LBB2_9:
0x5d: {  	p1 =	sne.s32 s3, $0x7FC  }
.Ltmp3:
0x5e: {  	s17 =	sshra.s32 s3, $0x2;
	s3 =	sadd.s32 $0x4, s3;
	(pc) =	sbr.rel @p1 .LBB2_9-.Ltmp3, $4  }
0x5f: {  	s22 =	sadd.s32 $0x20, s22;
	v7 =	vmov v3;
	v6 =	vmul.f32 v5, v3;
	v3 =	vld.msk [tilespmem:s17+$0x18C00 ss:$0x0], $0xffff  }
0x60: {  	v5 =	vld [tilespmem:s22+$0x0];
	v7 =	vmul.f32 v7, v4  }
0x61: {  	v4 =	vld [tilespmem:s22+$0xFFFFFFF0];
	[tilespmem:s23+$0x0] =	vst v6  }
0x62: {  	[tilespmem:s23+$0xFFFFFFF0] =	vst v7;
	s23 =	smov.u32 s22  }
0x63: {  	_ =	sdelay $0x1  }
0x64: {  	v5 =	vmul.f32 v5, v3  }
0x65: {  	v3 =	vmul.f32 v3, v4  }
0x66: {  	[tilespmem:s23+$0x0] =	vst v5  }
0x67: {  	[tilespmem:s23+$0xFFFFFFF0] =	vst v3  }
0x68: {  	[spmem:s2] =	stream.indirect.scatter.add.f32 [tilespmem:s20], [sflag:$0x2], $0x20, s31, s19, $0xb8;
	[tilespmem:$0x1D810] =	vst v63  }
0x69: {  	_ =	swait.ge [sflag:s15], $0x1000  }
0x6a: {  	[sflag:s15] =	ssyncset.done $0x0  }
0x6b: {  	[sflag:s15] =	ssyncadd.s32 $0xFFFFF000  }
0x6c: {  	[spmem:s2] =	stream.indirect.scatter.add.f32 [tilespmem:s24], [sflag:$0x2], $0x20, s0, s19, $0xb8;
	[tilespmem:$0x1D810] =	vst v63  }
0x6d: {  	_ =	swait.ge [sflag:s15], $0x1000  }
0x6e: {  	[sflag:s15] =	ssyncset.done $0x0  }
0x6f: {  	[sflag:s15] =	ssyncadd.s32 $0xFFFFF000  }
0x70: {  	[spmem:s2] =	stream.indirect.scatter.add.f32 [tilespmem:s26], [sflag:$0x2], $0x20, s4, s19, $0xb8;
	[tilespmem:$0x1D810] =	vst v63  }
0x71: {  	s13 =	sadd.s32 $0x1, s13;
	_ =	swait.ge [sflag:s15], $0x1000  }
0x72: {  	p1 =	sne.s32 s13, $0xC8;
	[sflag:s15] =	ssyncset.done $0x0  }
.Ltmp4:
0x73: {  	[sflag:s15] =	ssyncadd.s32 $0xFFFFF000;
	(pc) =	sbr.rel @p1 .LBB2_6-.Ltmp4, $4  }
0x74: {  	[spmem:s2] =	stream.indirect.scatter.add.f32 [tilespmem:s29], [sflag:$0x2], $0x20, s11, s19, $0xb8;
	[tilespmem:$0x1D810] =	vst v63  }
0x75: {  	_ =	swait.ge [sflag:s15], $0x1000  }
0x76: {  	[sflag:s15] =	ssyncset.done $0x0  }
0x77: {  	[sflag:s15] =	ssyncadd.s32 $0xFFFFF000  }
0x78: {  	[bflag:$0x0] =	sbarrier.arrive $0xFFFF  }
0x79: {  	s12 =	rddreg [dreg:$0x6]  }
0x7a: {  	s3 =	simm.s32 @p0 $0x1FC2;
	s13 =	rddreg [dreg:$0x8]  }
0x7b: {  	[hbm:s12], [sflag:s3] =	dma.local @p0 [spmem:s13], $0x3020  }
0x7c: {  	s3 =	simm.s32 @p0 $0x2  }
0x7d: {  	s12 =	stileid.u32;
	_ =	swait.ge @p0 [sflag:s3], $0x3020  }
0x7e: {  	s12 =	sshll.u32 @!p0 s12, $0x6;
	[sflag:s3] =	ssyncset.done @p0 $0x0;
	s13 =	rddreg [dreg:$0x9]  }
0x7f: {  	[sflag:s3] =	ssyncadd.s32 @p0 $0xFFFFCFE0;
	s3 =	sor.u32 @!p0 $0x1C02, s12;
	s12 =	rddreg [dreg:$0x5]  }
0x80: {  	[hbm:s12], [sflag:s3] =	dma.local @!p0 [spmem:s13], $0x30E0  }
0x81: {  	s3 =	simm.s32 @!p0 $0x2  }
0x82: {  	_ =	swait.ge @!p0 [sflag:s3], $0x30E0  }
0x83: {  	s17 =	rddreg [dreg:$0x4]  }
0x84: {  	s23 =	rddreg [dreg:$0x7];
	s17 =	sadd.s32 $0x1, s17  }
0x85: {  	p1 =	sne.s32 s17, s23  }
.Ltmp5:
0x86: {  	_ = 	snop;
	(pc) =	sbr.rel @p1 .LBB2_1-.Ltmp5, $3  }
0x87: {  	_ =	sdelay $0x1  }
0x88: {  	[sflag:s3] =	ssyncset.done @!p0 $0x0  }
0x89: {  	[sflag:s3] =	ssyncadd.s32 @!p0 $0xFFFFCF20  }
0x8a: {  	_ =	sfence.sel $0x180000  }
0x8b: {  	[bflag:$0x0] =	sbarrier.arrive $0xFFFF  }
0x8c: {  	_ =	strace $0x9000004A  }
0x8d: {  	s0 =	stileid.u32;
	[bflag:$0x2] =	sbarrier.arrive $0xFFFF  }
0x8e: {  	p0 =	sne.s32 s0, $0x0;
	s0 =	rddreg [dreg:$0x3]  }
0x8f: {  	s0 =	sadd.s32 @!p0 $0x100000, s0  }
0x90: {  	[sflag:s0] =	ssyncadd.tile.s32 @!p0 $0x1;
	_ =	shalt  }
.Lfunc_end2:
_tile_overlayer_lowered:
.L_overlay_start_2:
0x91: {  	(tag) =	ssettag $0x2  }
0x92: {  	s0 =	rddreg [dreg:$0x0];
	s2 =	stileid.u32  }
0x93: {  	s1 =	rddreg [dreg:$0x1];
	p0 =	sne.s32 s2, $0x0  }
0x94: {  	s3 =	rddreg [dreg:$0x2];
	[bflag:$0x3] =	sbarrier.arrive $0xFFFF;
	s2 =	simm.s32 @!p0 $0x1C02  }
0x95: {  	[timem:s3], [sflag:s2] =	dma.local @!p0 [hbm:s0], s1  }
0x96: {  	s0 =	simm.s32 @!p0 $0x2  }
0x97: {  	_ =	swait.ge @!p0 [sflag:s0], s1  }
0x98: {  	s1 =	ssub.s32 @!p0 $0x0, s1;
	[sflag:s0] =	ssyncset.done @!p0 $0x0  }
0x99: {  	[sflag:s0] =	ssyncadd.s32 @!p0 s1  }
0x9a: {  	[bflag:$0x3] =	sbarrier.arrive $0xFFFF  }
0x9b: {  	_ =	shalt  }

// kernel: kernel.9.cloned.1.call-start
scs
__scs_entry_jumppad:
0x0: {  	(pc) =	sbr.rel $0x88, $3  }
0x1: {  	(tag) =	ssettag $0x0;
	lr =	simm.s32 $0x1  }
0x2: {  	[smem:$0x3F8A] =	sst lr;
	_ =	strace $0xD0000000  }
0x3: {  	_ = 	snop  }
0x4: {  	_ = 	snop  }
0x5: {  	_ = 	snop  }
0x6: {  	_ = 	snop  }
0x7: {  	_ = 	snop  }
__scs_overlays_trampoline_lowered:
0x8: {  	[smem:$0x3F99] =	sst s0  }
0x9: {  	[smem:$0x3F9A] =	sst s1  }
0xa: {  	[smem:$0x3F9B] =	sst s2  }
0xb: {  	[smem:$0x3F9C] =	sst s3  }
0xc: {  	[smem:$0x3F9D] =	sst s4  }
0xd: {  	[smem:$0x3F9E] =	sst s5  }
0xe: {  	[smem:$0x3F9F] =	sst s6  }
0xf: {  	[smem:$0x3FA0] =	sst s7  }
0x10: {  	[smem:$0x3FA1] =	sst s8  }
0x11: {  	[smem:$0x3FA2] =	sst s9;
	s0 =	simm.s32 @!p0 $0x0  }
0x12: {  	s1 =	sld [smem:$0x3F88];
	s0 =	simm.s32 @p0 $0x1  }
0x13: {  	[smem:$0x3FA3] =	sst s0;
	s0 =	simm.s32 @!p1 $0x0  }
0x14: {  	s2 =	sld [smem:$0x3F87];
	s0 =	simm.s32 @p1 $0x1  }
0x15: {  	[smem:$0x3FA4] =	sst s0;
	s0 =	simm.s32 @!p2 $0x0  }
0x16: {  	s3 =	sld [smem:$0x3FDB];
	s0 =	simm.s32 @p2 $0x1  }
0x17: {  	s4 =	simm.s32 $0x1BF5;
	[smem:$0x3FA6] =	sst s0  }
0x18: {  	s0 =	sld [smem:$0x3F89];
	_ =	swait.ge [sflag:s4], $0x0  }
0x19: {  	s7 =	sld [smem:$0x3F8A]  }
0x1a: {  	s8 =	sadd.s32 $0xFFFFE003, lr  }
0x1b: {  	s9 =	sadd.s32 $0xFFFFFEF7, lr;
	s5 =	simm.s32 $0xFFFFFFFF;
	p2 =	slt.u32 s8, $0xFFFFF086  }
0x1c: {  	p1 =	slt.u32 s9, $0xF7A;
	s5 =	simm.s32 @!p2 $0x0  }
0x1d: {  	s5 =	simm.s32 @p1 $0x1;
	p0 =	seq.s32 s7, s2  }
0x1e: {  	s7 =	smul.u32 @!p0 $0xF7A, s2;
	p2 =	seq.s32 @!p0 s5, $0x0  }
0x1f: {  	s9 =	smul.u32 $0xF7A, s1;
	s8 =	simm.s32 @!p0 $0x1BF5;
	p2 =	por !p2, p0  }
0x20: {  	[sflag:s8] =	ssyncset.s32 @!p0 $0xFFFFF086;
	s6 =	sadd.s32 @!p0 s3, s7;
	s7 =	simm.s32 @!p0 $0x108  }
0x21: {  	s3 =	sadd.s32 s3, s9;
	s6 =	sadd.s32 @!p0 $0x88, s6;
	s7 =	simm.s32 @p2 $0x1082  }
0x22: {  	[simem:s7], [sflag:s8] =	dma.local @!p0 [hbm:s6], $0xF7A  }
0x23: {  	s9 =	sor.u32 $0xD0000000, s2;
	s6 =	simm.s32 $0x108;
	_ =	swait.ge @!p0 [sflag:s8], $0x0  }
0x24: {  	s3 =	sadd.s32 $0x88, s3;
	s6 =	simm.s32 @!p1 $0x1082;
	[sflag:s4] =	ssyncset.s32 $0xFFFFF086  }
0x25: {  	[simem:s6], [sflag:s4] =	dma.local [hbm:s3], $0xF7A  }
0x26: {  	[smem:$0x3F8A] =	sst s1;
	(tag) =	ssettag s2;
	_ =	strace s9  }
0x27: {  	s1 =	sld [smem:$0x3F9A]  }
0x28: {  	s2 =	sld [smem:$0x3F9B]  }
0x29: {  	s4 =	sld [smem:$0x3F9D]  }
0x2a: {  	p0 =	seq.s32 s5, $0x0;
	s5 =	sld [smem:$0x3F9E]  }
0x2b: {  	s6 =	sld [smem:$0x3F9F]  }
0x2c: {  	s7 =	sld [smem:$0x3FA0]  }
0x2d: {  	s3 =	simm.s32 $0x108;
	s8 =	sld [smem:$0x3FA1]  }
0x2e: {  	s3 =	simm.s32 @!p0 $0x1082;
	s9 =	sld [smem:$0x3FA2]  }
0x2f: {  	lr =	sadd.s32 s0, s3;
	s0 =	sld [smem:$0x3F99]  }
0x30: {  	s3 =	sld [smem:$0x3F9C]  }
0x31: {  	[smem:$0x3FA5] =	sst s10  }
0x32: {  	s10 =	sld [smem:$0x3FA3];
	_ =	sdelay $0x3  }
0x33: {  	p0 =	seq.s32 s10, $0x1;
	s10 =	sld [smem:$0x3FA5];
	_ =	sdelay $0x3  }
0x34: {  	[smem:$0x3FA5] =	sst s10  }
0x35: {  	s10 =	sld [smem:$0x3FA4];
	_ =	sdelay $0x3  }
0x36: {  	p1 =	seq.s32 s10, $0x1;
	s10 =	sld [smem:$0x3FA5];
	_ =	sdelay $0x3  }
0x37: {  	[smem:$0x3FA5] =	sst s10  }
0x38: {  	s10 =	sld [smem:$0x3FA6]  }
0x39: {  	_ = 	snop;
	(pc) =	sbr.ind lr, $3  }
0x3a: {  	_ = 	snop  }
0x3b: {  	_ = 	snop  }
0x3c: {  	p2 =	seq.s32 s10, $0x1;
	s10 =	sld [smem:$0x3FA5]  }
0x3d: {  	_ =	shalt  }
0x3e: {  	_ =	shalt  }
0x3f: {  	_ =	shalt  }
0x40: {  	_ =	shalt  }
0x41: {  	_ =	shalt  }
0x42: {  	_ =	shalt  }
0x43: {  	_ =	shalt  }
0x44: {  	_ =	shalt  }
0x45: {  	_ =	shalt  }
0x46: {  	_ =	shalt  }
0x47: {  	_ =	shalt  }
0x48: {  	_ =	shalt  }
0x49: {  	_ =	shalt  }
0x4a: {  	_ =	shalt  }
0x4b: {  	_ =	shalt  }
0x4c: {  	_ =	shalt  }
0x4d: {  	_ =	shalt  }
0x4e: {  	_ =	shalt  }
0x4f: {  	_ =	shalt  }
0x50: {  	_ =	shalt  }
0x51: {  	_ =	shalt  }
0x52: {  	_ =	shalt  }
0x53: {  	_ =	shalt  }
0x54: {  	_ =	shalt  }
0x55: {  	_ =	shalt  }
0x56: {  	_ =	shalt  }
0x57: {  	_ =	shalt  }
0x58: {  	_ =	shalt  }
0x59: {  	_ =	shalt  }
0x5a: {  	_ =	shalt  }
0x5b: {  	_ =	shalt  }
0x5c: {  	_ =	shalt  }
0x5d: {  	_ =	shalt  }
0x5e: {  	_ =	shalt  }
0x5f: {  	_ =	shalt  }
0x60: {  	_ =	shalt  }
0x61: {  	_ =	shalt  }
0x62: {  	_ =	shalt  }
0x63: {  	_ =	shalt  }
0x64: {  	_ =	shalt  }
0x65: {  	_ =	shalt  }
0x66: {  	_ =	shalt  }
0x67: {  	_ =	shalt  }
0x68: {  	_ =	shalt  }
0x69: {  	_ =	shalt  }
0x6a: {  	_ =	shalt  }
0x6b: {  	_ =	shalt  }
0x6c: {  	_ =	shalt  }
0x6d: {  	_ =	shalt  }
0x6e: {  	_ =	shalt  }
0x6f: {  	_ =	shalt  }
0x70: {  	_ =	shalt  }
0x71: {  	_ =	shalt  }
0x72: {  	_ =	shalt  }
0x73: {  	_ =	shalt  }
0x74: {  	_ =	shalt  }
0x75: {  	_ =	shalt  }
0x76: {  	_ =	shalt  }
0x77: {  	_ =	shalt  }
0x78: {  	_ =	shalt  }
0x79: {  	_ =	shalt  }
0x7a: {  	_ =	shalt  }
0x7b: {  	_ =	shalt  }
0x7c: {  	_ =	shalt  }
0x7d: {  	_ =	shalt  }
0x7e: {  	_ =	shalt  }
0x7f: {  	_ =	shalt  }
0x80: {  	_ =	shalt  }
0x81: {  	_ =	shalt  }
0x82: {  	_ =	shalt  }
0x83: {  	_ =	shalt  }
0x84: {  	_ =	shalt  }
0x85: {  	_ =	shalt  }
0x86: {  	_ =	shalt  }
0x87: {  	_ =	shalt  }
.Lfunc_end0:
.L_simem_size_0:
called_computation_lowered:
.L_overlay_start_0:
0x88: {  	s2 =	sld [smem:$0x3FD9]  }
0x89: {  	s3 =	sld [smem:$0x3FFE];
	_ =	sdelay $0x1  }
0x8a: {  	s1 =	srdreg.scid  }
0x8b: {  	s0 =	sand.u32 $0x1, s1  }
0x8c: {  	s17 =	sshll.u32 s0, $0xA;
	s2 =	sadd.s32 s3, s2  }
0x8d: {  	s2 =	sadd.s32 s2, s17  }
0x8e: {  	[smem:$0x3FB1] =	sst s2  }
0x8f: {  	_ = 	snop  }
0x90: {  	s2 =	sld [smem:$0x3FD0];
	(tm) =	ssettm $0x1  }
0x91: {  	s18 =	sld [smem:$0x3FFB];
	_ =	sdelay $0x3  }
0x92: {  	_ =	strace s18  }
0x93: {  	s3 =	sld [smem:$0x3FFC];
	_ =	sdelay $0x3  }
0x94: {  	_ =	strace s3  }
0x95: {  	s3 =	sld [smem:$0x3FFD];
	_ =	sdelay $0x3  }
0x96: {  	_ =	strace s3  }
0x97: {  	_ =	strace $0x8FFFFFFF  }
0x98: {  	s19 =	sld [smem:$0x3FDB];
	_ =	sdelay $0x1  }
0x99: {  	s4 =	simm.s32 $_scs_section_size  }
0x9a: {  	s5 =	simm.s32 $_size__tile_overlayer_lowered;
	s6 =	simm.s32 $_tile_overlayer_lowered  }
0x9b: {  	s22 =	simm.s32 $0x1BFF;
	s21 =	sshll.u32 s6, $0x1;
	s3 =	sadd.s32 s4, s19  }
0x9c: {  	s7 =	simm.s32 $0x0;
	s20 =	sshll.u32 s5, $0x1;
	s5 =	sadd.s32 s21, s3  }
0x9d: {  	[timem:s7], [sflag:s22] =	dma.local [hbm:s5], s20  }
0x9e: {  	_ =	swait.ge [sflag:s22], s20  }
0x9f: {  	s4 =	ssub.s32 $0x0, s20;
	[sflag:s22] =	ssyncset.done $0x0  }
0xa0: {  	[sflag:s22] =	ssyncadd.s32 s4;
	_ =	sdelay $0x1  }
0xa1: {  	s23 =	simm.s32 $0x1B8B  }
0xa2: {  	_ =	swait.ge [sflag:s23], $0x1  }
0xa3: {  	[sflag:s23] =	ssyncset.done $0x0  }
0xa4: {  	s25 =	simm.s32 $0x1B8E;
	s24 =	sld [smem:$0x3FFE];
	[sflag:s23] =	ssyncadd.s32 $0xFFFFFFFF  }
0xa5: {  	s26 =	simm.s32 $execute0_lowered;
	[smem:$0x3FD2] =	sst s25  }
0xa6: {  	s5 =	sshll.u32 s26, $0x1;
	_ =	strace $0x80000046;
	[dreg:$0x1] =	wrdreg $0xFFFFFFFF  }
0xa7: {  	s28 =	simm.s32 $_size_execute0_lowered;
	s3 =	sadd.s32 s3, s5;
	[dreg:$0x0] =	wrdreg $0x0  }
0xa8: {  	s5 =	sshll.u32 s28, $0x1;
	[dreg:$0x2] =	wrdreg s3  }
0xa9: {  	[dreg:$0x3] =	wrdreg s5  }
0xaa: {  	[dreg:$0x4] =	wrdreg $0xC0  }
0xab: {  	_ =	task [dreg:s7], $0x5FFFF  }
0xac: {  	[dreg:$0x1] =	wrdreg $0xFFFFFFFF  }
0xad: {  	[dreg:$0x0] =	wrdreg $0x60  }
0xae: {  	[dreg:$0x2] =	wrdreg s2  }
0xaf: {  	[dreg:$0x3] =	wrdreg s24  }
0xb0: {  	[dreg:$0x4] =	wrdreg $0x0  }
0xb1: {  	[dreg:$0x5] =	wrdreg $0x9  }
0xb2: {  	_ =	task.clear_ibuf [dreg:s7], $0x6FFFF;
	_ =	strace $0x90000046  }
0xb3: {  	s29 =	simm.s32 $0x9;
	_ =	strace $0x80000048  }
0xb4: {  	_ =	swait.ge [sflag:s29], $0x1  }
0xb5: {  	[sflag:s29] =	ssyncadd.s32 $0xFFFFFFFF  }
0xb6: {  	_ =	strace $0x90000048  }
0xb7: {  	_ =	sfence  }
0xb8: {  	s30 =	sld [smem:$0x0];
	_ =	sdelay $0x2  }
0xb9: {  	s31 =	sshll.u32 s1, $0xD;
	s1 =	sshrl.u32 s1, $0x2  }
0xba: {  	s3 =	sand.u32 $0x4000, s31;
	s1 =	sadd.s32 s1, s30  }
0xbb: {  	s0 =	sor.u32 s3, s0;
	s1 =	sshll.u32 s1, $0x11  }
0xbc: {  	s0 =	sor.u32 s1, s0  }
0xbd: {  	s0 =	sadd.s32 $0x8F2B, s0  }
0xbe: {  	[sflag:s0] =	ssyncadd.remote.s32 $0x1  }
0xbf: {  	_ =	sfence.sel $0xFFFF  }
0xc0: {  	[dreg:$0x0] =	wrdreg $0xFFFFFFFF;
	(pc) =	sbr.abs _section_cstart, $3  }
0xc1: {  	[dreg:$0x1] =	wrdreg $0xFFFFFFFF  }
0xc2: {  	_ =	task.clear_ibuf [dreg:s7], $0x2FFFF;
	_ =	strace $0x9FFFFFFF  }
0xc3: {  	(tm) =	ssettm $0x7FFFFFFF  }
tec
execute0_lowered:
.L_overlay_start_1:
0x0: {  	(tag) =	ssettag $0x1  }
0x1: {  	s1 =	rddreg [dreg:$0x0]  }
0x2: {  	s0 =	rddreg [dreg:$0x1]  }
0x3: {  	s2 =	rddreg [dreg:$0x2];
	s17 =	simm.s32 $0x0;
	s3 =	srdreg.scid  }
0x4: {  	s23 =	stileid.u32;
	s14 =	simm.s32 $0x1D010;
	s15 =	simm.s32 $0x2  }
0x5: {  	s16 =	simm.s32 $0x18800;
	s18 =	simm.s32 $0x18C00;
	s19 =	simm.s32 $0x80  }
0x6: {  	s20 =	simm.s32 $0x19010;
	s21 =	simm.s32 $0x18880;
	s24 =	simm.s32 $0x1A010  }
0x7: {  	s28 =	simm.s32 $0x18980;
	s29 =	simm.s32 $0x1C010;
	s30 =	simm.s32 $0x1  }
0x8: {  	s31 =	simm.s32 $0x18E10;
	[smem:$0x7FF] =	sst s17;
	s9 =	smul.u32 $0x62000, s23  }
0x9: {  	s3 =	sand.u32 $0x1, s3;
	s5 =	sadd.s32 $0x34A00, s0;
	s8 =	smul.u32 $0xC8, s23  }
0xa: {  	s6 =	sadd.s32 $0x21D000, s0;
	s7 =	sadd.s32 $0x2A00, s0;
	s12 =	smul.u32 $0xC38, s23  }
0xb: {  	s0 =	sadd.s32 $0x24F000, s0;
	s25 =	sshll.u32 s23, $0x3;
	s13 =	smul.u32 $0x61C00, s23  }
0xc: {  	p0 =	seq.s32 s23, $0xF;
	_ =	strace $0x80000047;
	s4 =	smul.u32 $0xC350, s3  }
0xd: {  	s10 =	ssub.s32 $0x2, s3;
	s22 =	sadd.s32 $0xC350, s25;
	s3 =	smul.u32 $0x186A00, s3  }
0xe: {  	s25 =	simm.s32 $0x18900;
	s11 =	sshrl.u32 s10, $0x1;
	s9 =	sshrl.u32 s9, $0x2  }
0xf: {  	s13 =	sshrl.u32 s13, $0x2;
	s11 =	ssub.s32 s10, s11;
	s12 =	sadd.s32 s12, s4  }
0x10: {  	s9 =	sadd.s32 s9, s2;
	s3 =	sshrl.u32 s3, $0x3;
	s12 =	sshll.u32 s12, $0x2  }
0x11: {  	s26 =	smax.u32 s11, $0x1;
	s12 =	sadd.s32 s0, s12;
	s0 =	sadd.s32 s0, s3  }
0x12: {  	s10 =	smul.u32 $0x19000, s23;
	[dreg:$0x7] =	wrdreg s26;
	s0 =	sadd.s32 $0x2DD20, s0  }
0x13: {  	v0 =	vmov s4;
	s4 =	simm.s32 $0x18F10;
	[dreg:$0x6] =	wrdreg s0;
	s0 =	sadd.s32 $0x16E900, s2  }
0x14: {  	[dreg:$0x5] =	wrdreg s12;
	s12 =	sadd.s32 s13, s2;
	s0 =	sshrl.u32 @p0 s0, $0x3  }
0x15: {  	s11 =	simm.s32 $0x18F90;
	[dreg:$0x8] =	wrdreg s0;
	s0 =	sshrl.u32 @!p0 s12, $0x3  }
0x16: {  	v2 =	vimm.f32 $0.0e+00;
	v1 =	vmov s22;
	s26 =	simm.s32 $0x1B010;
	[dreg:$0x9] =	wrdreg s0;
	s0 =	simm.s32 $0x18E90  }
.LBB2_1:
0x17: {  	s3 =	simm.s32 $0x0  }
.LBB2_2:
0x18: {  	p1 =	sne.s32 s3, $0x1F80  }
.Ltmp0:
0x19: {  	_ = 	snop;
	(pc) =	sbr.rel @p1 .LBB2_2-.Ltmp0, $4  }
0x1a: {  	_ = 	snop  }
0x1b: {  	s12 =	sshra.s32 s3, $0x2  }
0x1c: {  	[tilespmem:s12+$0x1D010] =	vst v2  }
0x1d: {  	s3 =	sadd.s32 $0x80, s3;
	[tilespmem:s12+$0x1D020] =	vst v2  }
0x1e: {  	[dreg:$0x4] =	wrdreg s17;
	s3 =	sadd.s32 $0x0, s9  }
0x1f: {  	[spmem:s3] =	stream.linear.scatter [tilespmem:s14], [sflag:$0x2], $0x800, $0x38;
	[tilespmem:$0x1D810] =	vst v63  }
0x20: {  	s3 =	simm.s32 $0x2000;
	_ =	swait.ge [sflag:s15], $0x800  }
.LBB2_4:
0x21: {  	s12 =	sshra.s32 s3, $0x2;
	[sflag:s15] =	ssyncset.done $0x0;
	p1 =	sne.s32 s3, $0x60000  }
.Ltmp1:
0x22: {  	s12 =	sadd.s32 s12, s9;
	[sflag:s15] =	ssyncadd.s32 $0xFFFFF800;
	(pc) =	sbr.rel @p1 .LBB2_4-.Ltmp1, $3  }
0x23: {  	[spmem:s12] =	stream.linear.scatter [tilespmem:s14], [sflag:$0x2], $0x800, $0x38;
	[tilespmem:$0x1D810] =	vst v63  }
0x24: {  	s3 =	sadd.s32 $0x2000, s3;
	_ =	sdelay $0x1  }
0x25: {  	_ =	swait.ge [sflag:s15], $0x800  }
0x26: {  	[sflag:s15] =	ssyncset.done $0x0  }
0x27: {  	[sflag:s15] =	ssyncadd.s32 $0xFFFFF800  }
0x28: {  	s12 =	simm.s32 $0x0;
	s13 =	simm.s32 $0x0;
	[bflag:$0x0] =	sbarrier.arrive $0xFFFF  }
.LBB2_6:
0x29: {  	s3 =	sshll.u32 s13, $0x9  }
0x2a: {  	s3 =	sadd.s32 s10, s3  }
0x2b: {  	s3 =	sshrl.u32 s3, $0x3  }
0x2c: {  	s22 =	sadd.s32 s5, s3  }
0x2d: {  	[tilespmem:s16], [sflag:$0x2] =	stream.linear.gather [hbm4b:s22+s12], $0x200, $0x38;
	[tilespmem:$0x1D810] =	vst v63  }
0x2e: {  	_ =	swait.ge [sflag:s15], $0x200  }
0x2f: {  	[sflag:s15] =	ssyncset.done $0x0  }
0x30: {  	s17 =	simm.s32 $0x18A00;
	s3 =	sadd.s32 s6, s3;
	[sflag:s15] =	ssyncadd.s32 $0xFFFFFE00  }
0x31: {  	[tilespmem:s17], [sflag:$0x2] =	stream.linear.gather [hbm4b:s3+s12], $0x200, $0x38;
	[tilespmem:$0x1D810] =	vst v63  }
0x32: {  	s23 =	sadd.s32 s8, s13;
	_ =	swait.ge [sflag:s15], $0x200  }
0x33: {  	s3 =	sshll.u32 s23, $0x6;
	[sflag:s15] =	ssyncset.done $0x0  }
0x34: {  	s3 =	sadd.s32 s7, s3;
	[sflag:s15] =	ssyncadd.s32 $0xFFFFFE00  }
0x35: {  	[tilespmem:s18], [sflag:$0x2] =	stream.linear.gather [hbm4b:s3+s12], $0x200, $0x38;
	[tilespmem:$0x1D810] =	vst v63  }
0x36: {  	_ =	swait.ge [sflag:s15], $0x200  }
0x37: {  	[sflag:s15] =	ssyncset.done $0x0  }
0x38: {  	[sflag:s15] =	ssyncadd.s32 $0xFFFFFE00  }
0x39: {  	[tilespmem:s20], [sflag:$0x1] =	stream.indirect.gather [hbm4b:s1+s19], $0x20, s16, s19, $0xb8;
	[tilespmem:$0x1D810] =	vst v63  }
0x3a: {  	_ = 	snop  }
0x3b: {  	[tilespmem:s24], [sflag:$0x1] =	stream.indirect.gather [hbm4b:s1+s19], $0x20, s21, s19, $0xb8;
	[tilespmem:$0x1D810] =	vst v63  }
0x3c: {  	_ = 	snop  }
0x3d: {  	[tilespmem:s26], [sflag:$0x1] =	stream.indirect.gather [hbm4b:s1+s19], $0x20, s25, s19, $0xb8;
	[tilespmem:$0x1D810] =	vst v63  }
0x3e: {  	_ = 	snop  }
0x3f: {  	[tilespmem:s29], [sflag:$0x1] =	stream.indirect.gather [hbm4b:s1+s19], $0x20, s28, s19, $0xb8;
	[tilespmem:$0x1D810] =	vst v63  }
0x40: {  	_ =	swait.ge [sflag:s30], $0x1000  }
0x41: {  	[sflag:s30] =	ssyncset.done $0x0  }
0x42: {  	[sflag:s30] =	ssyncadd.s32 $0xFFFFF000  }
0x43: {  	_ =	swait.ge [sflag:s30], $0x1000  }
0x44: {  	[sflag:s30] =	ssyncset.done $0x0  }
0x45: {  	[sflag:s30] =	ssyncadd.s32 $0xFFFFF000  }
0x46: {  	_ =	swait.ge [sflag:s30], $0x1000  }
0x47: {  	[sflag:s30] =	ssyncset.done $0x0  }
0x48: {  	[sflag:s30] =	ssyncadd.s32 $0xFFFFF000  }
0x49: {  	_ =	swait.ge [sflag:s30], $0x1000  }
0x4a: {  	[sflag:s30] =	ssyncset.done $0x0  }
0x4b: {  	s3 =	simm.s32 $0x0;
	[sflag:s30] =	ssyncadd.s32 $0xFFFFF000  }
0x4c: {  	s22 =	simm.s32 $0x40;
	v3 =	vld [tilespmem:s3+$0x18A00]  }
.LBB2_7:
0x4d: {  	_ =	sdelay $0x1  }
0x4e: {  	p1 =	sne.s32 s22, $0x7C0  }
.Ltmp2:
0x4f: {  	_ = 	snop;
	(pc) =	sbr.rel @p1 .LBB2_7-.Ltmp2, $4  }
0x50: {  	v4 =	vsub.s32 v3, v0  }
0x51: {  	vm0 =	vlt.u32 v4, $0xC350  }
0x52: {  	s23 =	sshra.s32 s22, $0x2;
	v4 =	vsel vm0, v4, v1  }
0x53: {  	s22 =	sadd.s32 $0x40, s22;
	v3 =	vld [tilespmem:s23+$0x18A00];
	[tilespmem:s3+$0x18E10] =	vst v4;
	s3 =	smov.u32 s23  }
0x54: {  	_ =	sdelay $0x3  }
0x55: {  	v3 =	vsub.s32 v3, v0  }
0x56: {  	vm0 =	vlt.u32 v3, $0xC350  }
0x57: {  	v3 =	vsel vm0, v3, v1  }
0x58: {  	s23 =	simm.s32 $0x0;
	[tilespmem:s3+$0x18E10] =	vst v3  }
0x59: {  	s22 =	simm.s32 $0x19020;
	v3 =	vld.msk [tilespmem:s23+$0x18C00 ss:$0x0], $0xffff  }
0x5a: {  	v5 =	vld [tilespmem:s22+$0x0]  }
0x5b: {  	v4 =	vld [tilespmem:s22+$0xFFFFFFF0]  }
0x5c: {  	s3 =	simm.s32 $0x4;
	s23 =	simm.s32 $0x19020  }
.LBB2_9:
0x5d: {  	p1 =	sne.s32 s3, $0x7FC  }
.Ltmp3:
0x5e: {  	s17 =	sshra.s32 s3, $0x2;
	s3 =	sadd.s32 $0x4, s3;
	(pc) =	sbr.rel @p1 .LBB2_9-.Ltmp3, $4  }
0x5f: {  	s22 =	sadd.s32 $0x20, s22;
	v7 =	vmov v3;
	v6 =	vmul.f32 v5, v3;
	v3 =	vld.msk [tilespmem:s17+$0x18C00 ss:$0x0], $0xffff  }
0x60: {  	v5 =	vld [tilespmem:s22+$0x0];
	v7 =	vmul.f32 v7, v4  }
0x61: {  	v4 =	vld [tilespmem:s22+$0xFFFFFFF0];
	[tilespmem:s23+$0x0] =	vst v6  }
0x62: {  	[tilespmem:s23+$0xFFFFFFF0] =	vst v7;
	s23 =	smov.u32 s22  }
0x63: {  	_ =	sdelay $0x1  }
0x64: {  	v5 =	vmul.f32 v5, v3  }
0x65: {  	v3 =	vmul.f32 v3, v4  }
0x66: {  	[tilespmem:s23+$0x0] =	vst v5  }
0x67: {  	[tilespmem:s23+$0xFFFFFFF0] =	vst v3  }
0x68: {  	[spmem:s2] =	stream.indirect.scatter.add.f32 [tilespmem:s20], [sflag:$0x2], $0x20, s31, s19, $0xb8;
	[tilespmem:$0x1D810] =	vst v63  }
0x69: {  	_ =	swait.ge [sflag:s15], $0x1000  }
0x6a: {  	[sflag:s15] =	ssyncset.done $0x0  }
0x6b: {  	[sflag:s15] =	ssyncadd.s32 $0xFFFFF000  }
0x6c: {  	[spmem:s2] =	stream.indirect.scatter.add.f32 [tilespmem:s24], [sflag:$0x2], $0x20, s0, s19, $0xb8;
	[tilespmem:$0x1D810] =	vst v63  }
0x6d: {  	_ =	swait.ge [sflag:s15], $0x1000  }
0x6e: {  	[sflag:s15] =	ssyncset.done $0x0  }
0x6f: {  	[sflag:s15] =	ssyncadd.s32 $0xFFFFF000  }
0x70: {  	[spmem:s2] =	stream.indirect.scatter.add.f32 [tilespmem:s26], [sflag:$0x2], $0x20, s4, s19, $0xb8;
	[tilespmem:$0x1D810] =	vst v63  }
0x71: {  	s13 =	sadd.s32 $0x1, s13;
	_ =	swait.ge [sflag:s15], $0x1000  }
0x72: {  	p1 =	sne.s32 s13, $0xC8;
	[sflag:s15] =	ssyncset.done $0x0  }
.Ltmp4:
0x73: {  	[sflag:s15] =	ssyncadd.s32 $0xFFFFF000;
	(pc) =	sbr.rel @p1 .LBB2_6-.Ltmp4, $4  }
0x74: {  	[spmem:s2] =	stream.indirect.scatter.add.f32 [tilespmem:s29], [sflag:$0x2], $0x20, s11, s19, $0xb8;
	[tilespmem:$0x1D810] =	vst v63  }
0x75: {  	_ =	swait.ge [sflag:s15], $0x1000  }
0x76: {  	[sflag:s15] =	ssyncset.done $0x0  }
0x77: {  	[sflag:s15] =	ssyncadd.s32 $0xFFFFF000  }
0x78: {  	[bflag:$0x0] =	sbarrier.arrive $0xFFFF  }
0x79: {  	s12 =	rddreg [dreg:$0x6]  }
0x7a: {  	s3 =	simm.s32 @p0 $0x1FC2;
	s13 =	rddreg [dreg:$0x8]  }
0x7b: {  	[hbm:s12], [sflag:s3] =	dma.local @p0 [spmem:s13], $0x3020  }
0x7c: {  	s3 =	simm.s32 @p0 $0x2  }
0x7d: {  	s12 =	stileid.u32;
	_ =	swait.ge @p0 [sflag:s3], $0x3020  }
0x7e: {  	s12 =	sshll.u32 @!p0 s12, $0x6;
	[sflag:s3] =	ssyncset.done @p0 $0x0;
	s13 =	rddreg [dreg:$0x9]  }
0x7f: {  	[sflag:s3] =	ssyncadd.s32 @p0 $0xFFFFCFE0;
	s3 =	sor.u32 @!p0 $0x1C02, s12;
	s12 =	rddreg [dreg:$0x5]  }
0x80: {  	[hbm:s12], [sflag:s3] =	dma.local @!p0 [spmem:s13], $0x30E0  }
0x81: {  	s3 =	simm.s32 @!p0 $0x2  }
0x82: {  	_ =	swait.ge @!p0 [sflag:s3], $0x30E0  }
0x83: {  	s17 =	rddreg [dreg:$0x4]  }
0x84: {  	s23 =	rddreg [dreg:$0x7];
	s17 =	sadd.s32 $0x1, s17  }
0x85: {  	p1 =	sne.s32 s17, s23  }
.Ltmp5:
0x86: {  	_ = 	snop;
	(pc) =	sbr.rel @p1 .LBB2_1-.Ltmp5, $3  }
0x87: {  	_ =	sdelay $0x1  }
0x88: {  	[sflag:s3] =	ssyncset.done @!p0 $0x0  }
0x89: {  	[sflag:s3] =	ssyncadd.s32 @!p0 $0xFFFFCF20  }
0x8a: {  	_ =	sfence.sel $0x180000  }
0x8b: {  	[bflag:$0x0] =	sbarrier.arrive $0xFFFF  }
0x8c: {  	_ =	strace $0x90000047  }
0x8d: {  	s0 =	stileid.u32;
	[bflag:$0x2] =	sbarrier.arrive $0xFFFF  }
0x8e: {  	p0 =	sne.s32 s0, $0x0;
	s0 =	rddreg [dreg:$0x3]  }
0x8f: {  	s0 =	sadd.s32 @!p0 $0x100000, s0  }
0x90: {  	[sflag:s0] =	ssyncadd.tile.s32 @!p0 $0x1;
	_ =	shalt  }
.Lfunc_end2:
_tile_overlayer_lowered:
.L_overlay_start_2:
0x91: {  	(tag) =	ssettag $0x2  }
0x92: {  	s0 =	rddreg [dreg:$0x0];
	s2 =	stileid.u32  }
0x93: {  	s1 =	rddreg [dreg:$0x1];
	p0 =	sne.s32 s2, $0x0  }
0x94: {  	s3 =	rddreg [dreg:$0x2];
	[bflag:$0x3] =	sbarrier.arrive $0xFFFF;
	s2 =	simm.s32 @!p0 $0x1C02  }
0x95: {  	[timem:s3], [sflag:s2] =	dma.local @!p0 [hbm:s0], s1  }
0x96: {  	s0 =	simm.s32 @!p0 $0x2  }
0x97: {  	_ =	swait.ge @!p0 [sflag:s0], s1  }
0x98: {  	s1 =	ssub.s32 @!p0 $0x0, s1;
	[sflag:s0] =	ssyncset.done @!p0 $0x0  }
0x99: {  	[sflag:s0] =	ssyncadd.s32 @!p0 s1  }
0x9a: {  	[bflag:$0x3] =	sbarrier.arrive $0xFFFF  }
0x9b: {  	_ =	shalt  }

</sc_bundles>
